<compile_context>
chip_gen: v7x
topology: tpu7x:2x2x1
jax: 0.10.2.dev20260603
libtpu: 0.0.44.dev20260713+nightly
codegen_flags: <defaults>
</compile_context>

<pallas_src>
import functools
import numpy as np
import jax
from jax import lax
import jax.numpy as jnp
from jax.experimental import pallas as pl
from jax.experimental.pallas import tpu as pltpu
from jax.experimental.pallas import tpu_sc as plsc


def _route_body(C, E, x_ref, wg_ref, slot_ref, w_ref):
    N = x_ref.shape[0]
    xf = x_ref[...]
    logits = jnp.dot(xf, wg_ref[...], preferred_element_type=jnp.float32)
    m = jnp.max(logits, axis=1, keepdims=True)
    gv = 1.0 / jnp.sum(jnp.exp(logits - m), axis=1, keepdims=True)
    e_iota = lax.broadcasted_iota(jnp.int32, logits.shape, 1)
    idx = jnp.min(jnp.where(logits == m, e_iota, E), axis=1, keepdims=True)
    oh = (e_iota == idx).astype(jnp.float32)
    r = lax.broadcasted_iota(jnp.int32, (N, N), 0)
    c = lax.broadcasted_iota(jnp.int32, (N, N), 1)
    tri = (c < r).astype(jnp.float32)
    cum = jnp.dot(tri, oh, preferred_element_type=jnp.float32)
    pos = jnp.sum(cum * oh, axis=1, keepdims=True).astype(jnp.int32)
    keepm = pos < C
    slot_ref[...] = jnp.where(keepm, idx * C + pos, E * C)
    w_ref[...] = jnp.where(keepm, gv, 0.0)


def _h_body(C, slot_ref, x_ref, w1_ref, b1_ref, h_ref):
    e = pl.program_id(0)
    N = slot_ref.shape[0]
    slot_col = slot_ref[...]
    c_iota = lax.broadcasted_iota(jnp.int32, (N, C), 1)
    P = (slot_col == e * C + c_iota).astype(jnp.float32)
    dispx = lax.dot_general(
        P, x_ref[...], (((0,), (0,)), ((), ())),
        preferred_element_type=jnp.float32)
    h_ref[...] = jnp.maximum(
        jnp.dot(dispx, w1_ref[0], preferred_element_type=jnp.float32)
        + b1_ref[0], 0.0)


def _combine_body(C, EPB, NB, slot_ref, w_ref, h_ref, w2s_ref, b2_ref,
                  out_ref, s_acc):
    i = pl.program_id(0)
    N = slot_ref.shape[0]
    S = EPB * C
    slot_col = slot_ref[...]
    r_iota = lax.broadcasted_iota(jnp.int32, (N, S), 1)
    P = (slot_col == i * S + r_iota).astype(jnp.float32)
    rq = lax.broadcasted_iota(jnp.int32, (S, EPB), 0) // C
    jq = lax.broadcasted_iota(jnp.int32, (S, EPB), 1)
    Q = (rq == jq).astype(jnp.float32)
    w2s_blk = jnp.sum(w2s_ref[...], axis=2)
    w2s_exp = jnp.dot(Q, w2s_blk,
                      preferred_element_type=jnp.float32)
    val = jnp.sum(h_ref[...] * w2s_exp, axis=1, keepdims=True)
    b2s = jnp.sum(b2_ref[:, 0, :], axis=1, keepdims=True)
    val = val + jnp.dot(Q, b2s, preferred_element_type=jnp.float32)
    contrib = jnp.dot(P, val, preferred_element_type=jnp.float32)

    @pl.when(i == 0)
    def _():
        s_acc[...] = contrib

    @pl.when(i > 0)
    def _():
        s_acc[...] = s_acc[...] + contrib

    @pl.when(i == NB - 1)
    def _():
        s = s_acc[...] * w_ref[...]
        mx = jnp.max(s, axis=0, keepdims=True)
        lse = jnp.log(jnp.sum(jnp.exp(s - mx), axis=0, keepdims=True)) + mx
        out_ref[...] = s - lse


def _w2s_sc(R, D):
    info = plsc.get_sparse_core_info()
    nc, ns = info.num_cores, info.num_subcores
    nw = nc * ns
    rows_w = R // nw
    RC = 32
    nch = rows_w // RC
    npair = nch // 2
    nv = D // 16
    mesh = plsc.VectorSubcoreMesh(core_axis_name="c", subcore_axis_name="s")

    @functools.partial(
        pl.kernel, mesh=mesh,
        out_type=jax.ShapeDtypeStruct((R * 16,), jnp.float32),
        scratch_types=[
            pltpu.VMEM((RC, D), jnp.float32),
            pltpu.VMEM((RC, D), jnp.float32),
            pltpu.VMEM((rows_w * 16,), jnp.float32),
            pltpu.SemaphoreType.DMA,
            pltpu.SemaphoreType.DMA,
        ],
    )
    def k(w2_hbm, out_hbm, buf0, buf1, pbuf, sem0, sem1):
        wid = lax.axis_index("s") * nc + lax.axis_index("c")
        base = wid * rows_w
        pltpu.async_copy(w2_hbm.at[pl.ds(base, RC), :], buf0, sem0)
        pltpu.async_copy(w2_hbm.at[pl.ds(base + RC, RC), :], buf1, sem1)

        def reduce_chunk(buf, g):
            def row_body(rr, _):
                accs = [buf[rr, pl.ds(16 * a, 16)] for a in range(4)]
                for j in range(4, nv):
                    a = j % 4
                    accs[a] = accs[a] + buf[rr, pl.ds(16 * j, 16)]
                pbuf[pl.ds((g * RC + rr) * 16, 16)] = \
                    (accs[0] + accs[1]) + (accs[2] + accs[3])
                return 0
            lax.fori_loop(0, RC, row_body, 0)

        def pair_body(p, _):
            g0 = 2 * p
            pltpu.make_async_copy(
                w2_hbm.at[pl.ds(base, RC), :], buf0, sem0).wait()
            reduce_chunk(buf0, g0)

            @pl.when(p + 1 < npair)
            def _():
                pltpu.async_copy(
                    w2_hbm.at[pl.ds(base + (g0 + 2) * RC, RC), :],
                    buf0, sem0)

            pltpu.make_async_copy(
                w2_hbm.at[pl.ds(base, RC), :], buf1, sem1).wait()
            reduce_chunk(buf1, g0 + 1)

            @pl.when(p + 1 < npair)
            def _():
                pltpu.async_copy(
                    w2_hbm.at[pl.ds(base + (g0 + 3) * RC, RC), :],
                    buf1, sem1)
            return 0

        lax.fori_loop(0, npair, pair_body, 0)
        pltpu.sync_copy(pbuf, out_hbm.at[pl.ds(base * 16, rows_w * 16)])

    return k


def kernel(x, Wg, W1, b1, W2, b2):
    B_, T_, D_ = x.shape
    N = B_ * T_
    E_ = Wg.shape[1]
    H_ = W1.shape[2]
    C = int(np.ceil(N * 1.25 / E_))
    EPB = 8
    NB = E_ // EPB
    xf = x.reshape(N, D_)

    w2p = _w2s_sc(E_ * H_, D_)(W2.reshape(E_ * H_, D_))
    w2p = w2p.reshape(E_, H_, 16)

    slot, w = pl.pallas_call(
        functools.partial(_route_body, C, E_),
        out_shape=[jax.ShapeDtypeStruct((N, 1), jnp.int32),
                   jax.ShapeDtypeStruct((N, 1), jnp.float32)],
    )(xf, Wg)

    h_all = pl.pallas_call(
        functools.partial(_h_body, C),
        grid=(E_,),
        in_specs=[
            pl.BlockSpec((N, 1), lambda e: (0, 0)),
            pl.BlockSpec((N, D_), lambda e: (0, 0)),
            pl.BlockSpec((1, D_, H_), lambda e: (e, 0, 0)),
            pl.BlockSpec((1, 1, H_), lambda e: (e, 0, 0)),
        ],
        out_specs=pl.BlockSpec((C, H_), lambda e: (e, 0)),
        out_shape=jax.ShapeDtypeStruct((E_ * C, H_), jnp.float32),
    )(slot, xf, W1, b1.reshape(E_, 1, H_))

    out = pl.pallas_call(
        functools.partial(_combine_body, C, EPB, NB),
        grid=(NB,),
        in_specs=[
            pl.BlockSpec((N, 1), lambda i: (0, 0)),
            pl.BlockSpec((N, 1), lambda i: (0, 0)),
            pl.BlockSpec((EPB * C, H_), lambda i: (i, 0)),
            pl.BlockSpec((EPB, H_, 16), lambda i: (i, 0, 0)),
            pl.BlockSpec((EPB, 1, D_), lambda i: (i, 0, 0)),
        ],
        out_specs=pl.BlockSpec((N, 1), lambda i: (0, 0)),
        out_shape=jax.ShapeDtypeStruct((N, 1), jnp.float32),
        scratch_shapes=[pltpu.VMEM((N, 1), jnp.float32)],
    )(slot, w, h_all, w2p, b2.reshape(E_, 1, D_))
    return out.reshape(B_, T_)

# --- scband reference (transcript-rebuilt; emitter-appended) ---
"""Pipeline reference for scband-example-model-9706626088960 (READ-ONLY COPY).

The authoritative reference and input builder live on the scoring server;
editing this copy changes nothing except your own understanding.
"""

import jax, jax.numpy as jnp
import numpy as np

B, T, D = 1, 2048, 768
E, K, H = 64, 1, 2048
N = B * T
C = int(np.ceil(N * K * 1.25 / E))


def setup_inputs(seed: int = 0) -> dict:
    key = jax.random.key(seed)
    ks = jax.random.split(key, 6)
    x = jax.random.normal(ks[0], (B, T, D), dtype=jnp.float32)
    Wg = jax.random.normal(ks[1], (D, E), dtype=jnp.float32) * 0.02
    W1 = jax.random.normal(ks[2], (E, D, H), dtype=jnp.float32) * 0.02
    b1 = jnp.zeros((E, H), dtype=jnp.float32)
    W2 = jax.random.normal(ks[3], (E, H, D), dtype=jnp.float32) * 0.02
    b2 = jnp.zeros((E, D), dtype=jnp.float32)
    return {"x": x, "Wg": Wg, "W1": W1, "b1": b1, "W2": W2, "b2": b2}


def reference(x, Wg, W1, b1, W2, b2):
    xf = x.reshape(N, D)
    # fp32 top-k gate
    logits = (xf.astype(jnp.float32) @ Wg.astype(jnp.float32))
    gates = jax.nn.softmax(logits, axis=-1)
    topv, topi = jax.lax.top_k(gates, K)  # [N, K]
    idx = topi.reshape(N * K)
    gv = topv.reshape(N * K).astype(xf.dtype)
    # capacity-based dispatch (position of each routed token within its expert)
    oh = jax.nn.one_hot(idx, E, dtype=jnp.float32)
    pos = jnp.sum((jnp.cumsum(oh, axis=0) - 1.0) * oh, axis=-1).astype(jnp.int32)
    keep = (pos < C).astype(xf.dtype)
    posc = jnp.clip(pos, 0, C - 1)
    xk = jnp.repeat(xf, K, axis=0)
    disp = jnp.zeros((E, C, D), xf.dtype).at[idx, posc].add(xk * keep[:, None])
    # per-expert FFN with relu activation
    h = jax.nn.relu(jnp.einsum('ecd,edh->ech', disp, W1) + b1[:, None, :])
    y = jnp.einsum('ech,ehd->ecd', h, W2) + b2[:, None, :]
    # combine (gather back + gate weighting)
    comb = (y[idx, posc] * (gv * keep)[:, None]).reshape(N, K, D).sum(axis=1)
    out = comb.reshape(B, T, D)
    return jax.nn.log_softmax(jnp.sum(out, axis=2), axis=1)

if __name__ == "__main__":
    import jax
    _d = setup_inputs()
    print(jax.jit(kernel)(*tuple(_d.values())))

</pallas_src>

<mosaic_0001>
#map = affine_map<(d0, d1) -> (0, 0)>
#map1 = affine_map<(d0, d1) -> (0)>
module attributes {stable_mosaic.version = 14 : i64} {
  func.func @k(%arg0: i32, %arg1: i32, %arg2: memref<131072x768xf32, #tpu.memory_space<hbm>>, %arg3: memref<2097152xf32, #tpu.memory_space<hbm>>, %arg4: memref<32x768xf32, #tpu.memory_space<vmem>>, %arg5: memref<32x768xf32, #tpu.memory_space<vmem>>, %arg6: memref<65536xf32, #tpu.memory_space<vmem>>, %arg7: memref<!tpu.dma_semaphore, #tpu.memory_space<semaphore_mem>>, %arg8: memref<!tpu.dma_semaphore, #tpu.memory_space<semaphore_mem>>) attributes {dimension_semantics = [#tpu.dimension_semantics<core_parallel>, #tpu.dimension_semantics<subcore_parallel>], iteration_bounds = array<i64: 2, 16>, scalar_prefetch = 0 : i64, scratch_operands = 5 : i64, tpu.core_type = #tpu.core_type<sc_vector_subcore>, window_params = [{transform_indices = #map}, {transform_indices = #map1}]} {
    %mul3A = arith.constant 2 : i32
    %mul3A_0 = arith.muli %arg1, %mul3A : i32
    %add3A = arith.addi %mul3A_0, %arg0 : i32
    %mul3A_1 = arith.constant 4096 : i32
    %mul3A_2 = arith.muli %add3A, %mul3A_1 : i32
    %dma_start3A = arith.constant 0 : i32
    %dma_start3A_3 = tpu.memref_slice %arg2[%mul3A_2, %dma_start3A] : memref<131072x768xf32, #tpu.memory_space<hbm>> -> memref<32x768xf32, #tpu.memory_space<hbm>>
    %dma_start3A_4 = arith.constant 0 : i32
    %dma_start3A_5 = tpu.memref_slice %arg2[%mul3A_2, %dma_start3A_4] : memref<131072x768xf32, #tpu.memory_space<hbm>> -> memref<32x768xf32, #tpu.memory_space<hbm>>
    tpu.enqueue_dma source(%dma_start3A_5 : memref<32x768xf32, #tpu.memory_space<hbm>>) target(%arg4 : memref<32x768xf32, #tpu.memory_space<vmem>>) target_semaphore(%arg7 : memref<!tpu.dma_semaphore, #tpu.memory_space<semaphore_mem>>)
    %add3A_6 = arith.constant 32 : i32
    %add3A_7 = arith.addi %mul3A_2, %add3A_6 : i32
    %dma_start3A_8 = arith.constant 0 : i32
    %dma_start3A_9 = tpu.memref_slice %arg2[%add3A_7, %dma_start3A_8] : memref<131072x768xf32, #tpu.memory_space<hbm>> -> memref<32x768xf32, #tpu.memory_space<hbm>>
    %dma_start3A_10 = arith.constant 0 : i32
    %dma_start3A_11 = tpu.memref_slice %arg2[%add3A_7, %dma_start3A_10] : memref<131072x768xf32, #tpu.memory_space<hbm>> -> memref<32x768xf32, #tpu.memory_space<hbm>>
    tpu.enqueue_dma source(%dma_start3A_11 : memref<32x768xf32, #tpu.memory_space<hbm>>) target(%arg5 : memref<32x768xf32, #tpu.memory_space<vmem>>) target_semaphore(%arg8 : memref<!tpu.dma_semaphore, #tpu.memory_space<semaphore_mem>>)
    %scan3A = arith.constant 0 : i32
    %scan3A_12 = arith.constant 0 : i32
    %scan3A_13 = arith.constant 64 : i32
    %scan3A_14 = arith.addi %scan3A_12, %scan3A_13 : i32
    %scan3A_15 = arith.constant 1 : i32
    %scan3A_16 = scf.for %scan3A_20 = %scan3A_12 to %scan3A_14 step %scan3A_15 iter_args(%scan3A_21 = %scan3A) -> (i32)  : i32 {
      %mul3A_22 = arith.constant 2 : i32
      %mul3A_23 = arith.muli %mul3A_22, %scan3A_20 : i32
      %dma_wait3A = arith.constant 0 : i32
      %dma_wait3A_24 = tpu.memref_slice %arg2[%mul3A_2, %dma_wait3A] : memref<131072x768xf32, #tpu.memory_space<hbm>> -> memref<32x768xf32, #tpu.memory_space<hbm>>
      %dma_wait3A_25 = arith.constant 0 : i32
      %dma_wait3A_26 = tpu.memref_slice %arg2[%mul3A_2, %dma_wait3A_25] : memref<131072x768xf32, #tpu.memory_space<hbm>> -> memref<32x768xf32, #tpu.memory_space<hbm>>
      tpu.wait_dma2 semaphore(%arg7 : memref<!tpu.dma_semaphore, #tpu.memory_space<semaphore_mem>>) src(%dma_wait3A_26 : memref<32x768xf32, #tpu.memory_space<hbm>>) dst(%arg4 : memref<32x768xf32, #tpu.memory_space<vmem>>)
      %scan3A_27 = arith.constant 0 : i32
      %scan3A_28 = arith.constant 0 : i32
      %scan3A_29 = arith.constant 32 : i32
      %scan3A_30 = arith.addi %scan3A_28, %scan3A_29 : i32
      %scan3A_31 = arith.constant 1 : i32
      %scan3A_32 = scf.for %scan3A_59 = %scan3A_28 to %scan3A_30 step %scan3A_31 iter_args(%scan3A_60 = %scan3A_27) -> (i32)  : i32 {
        %get3A = arith.index_cast %scan3A_59 : i32 to index
        %get3A_61 = arith.constant 0 : index
        %get3A_62 = tpu.vector_load %arg4[%get3A, %get3A_61] {strides = array<i32>} : memref<32x768xf32, #tpu.memory_space<vmem>>, vector<1x16xf32>,
        %get3A_63 = vector.shape_cast %get3A_62 : vector<1x16xf32> to vector<16xf32>
        %get3A_64 = arith.index_cast %scan3A_59 : i32 to index
        %get3A_65 = arith.constant 16 : index
        %get3A_66 = tpu.vector_load %arg4[%get3A_64, %get3A_65] {strides = array<i32>} : memref<32x768xf32, #tpu.memory_space<vmem>>, vector<1x16xf32>,
        %get3A_67 = vector.shape_cast %get3A_66 : vector<1x16xf32> to vector<16xf32>
        %get3A_68 = arith.index_cast %scan3A_59 : i32 to index
        %get3A_69 = arith.constant 32 : index
        %get3A_70 = tpu.vector_load %arg4[%get3A_68, %get3A_69] {strides = array<i32>} : memref<32x768xf32, #tpu.memory_space<vmem>>, vector<1x16xf32>,
        %get3A_71 = vector.shape_cast %get3A_70 : vector<1x16xf32> to vector<16xf32>
        %get3A_72 = arith.index_cast %scan3A_59 : i32 to index
        %get3A_73 = arith.constant 48 : index
        %get3A_74 = tpu.vector_load %arg4[%get3A_72, %get3A_73] {strides = array<i32>} : memref<32x768xf32, #tpu.memory_space<vmem>>, vector<1x16xf32>,
        %get3A_75 = vector.shape_cast %get3A_74 : vector<1x16xf32> to vector<16xf32>
        %get3A_76 = arith.index_cast %scan3A_59 : i32 to index
        %get3A_77 = arith.constant 64 : index
        %get3A_78 = tpu.vector_load %arg4[%get3A_76, %get3A_77] {strides = array<i32>} : memref<32x768xf32, #tpu.memory_space<vmem>>, vector<1x16xf32>,
        %get3A_79 = vector.shape_cast %get3A_78 : vector<1x16xf32> to vector<16xf32>
        %add3A_80 = arith.addf %get3A_63, %get3A_79 : vector<16xf32>
        %get3A_81 = arith.index_cast %scan3A_59 : i32 to index
        %get3A_82 = arith.constant 80 : index
        %get3A_83 = tpu.vector_load %arg4[%get3A_81, %get3A_82] {strides = array<i32>} : memref<32x768xf32, #tpu.memory_space<vmem>>, vector<1x16xf32>,
        %get3A_84 = vector.shape_cast %get3A_83 : vector<1x16xf32> to vector<16xf32>
        %add3A_85 = arith.addf %get3A_67, %get3A_84 : vector<16xf32>
        %get3A_86 = arith.index_cast %scan3A_59 : i32 to index
        %get3A_87 = arith.constant 96 : index
        %get3A_88 = tpu.vector_load %arg4[%get3A_86, %get3A_87] {strides = array<i32>} : memref<32x768xf32, #tpu.memory_space<vmem>>, vector<1x16xf32>,
        %get3A_89 = vector.shape_cast %get3A_88 : vector<1x16xf32> to vector<16xf32>
        %add3A_90 = arith.addf %get3A_71, %get3A_89 : vector<16xf32>
        %get3A_91 = arith.index_cast %scan3A_59 : i32 to index
        %get3A_92 = arith.constant 112 : index
        %get3A_93 = tpu.vector_load %arg4[%get3A_91, %get3A_92] {strides = array<i32>} : memref<32x768xf32, #tpu.memory_space<vmem>>, vector<1x16xf32>,
        %get3A_94 = vector.shape_cast %get3A_93 : vector<1x16xf32> to vector<16xf32>
        %add3A_95 = arith.addf %get3A_75, %get3A_94 : vector<16xf32>
        %get3A_96 = arith.index_cast %scan3A_59 : i32 to index
        %get3A_97 = arith.constant 128 : index
        %get3A_98 = tpu.vector_load %arg4[%get3A_96, %get3A_97] {strides = array<i32>} : memref<32x768xf32, #tpu.memory_space<vmem>>, vector<1x16xf32>,
        %get3A_99 = vector.shape_cast %get3A_98 : vector<1x16xf32> to vector<16xf32>
        %add3A_100 = arith.addf %add3A_80, %get3A_99 : vector<16xf32>
        %get3A_101 = arith.index_cast %scan3A_59 : i32 to index
        %get3A_102 = arith.constant 144 : index
        %get3A_103 = tpu.vector_load %arg4[%get3A_101, %get3A_102] {strides = array<i32>} : memref<32x768xf32, #tpu.memory_space<vmem>>, vector<1x16xf32>,
        %get3A_104 = vector.shape_cast %get3A_103 : vector<1x16xf32> to vector<16xf32>
        %add3A_105 = arith.addf %add3A_85, %get3A_104 : vector<16xf32>
        %get3A_106 = arith.index_cast %scan3A_59 : i32 to index
        %get3A_107 = arith.constant 160 : index
        %get3A_108 = tpu.vector_load %arg4[%get3A_106, %get3A_107] {strides = array<i32>} : memref<32x768xf32, #tpu.memory_space<vmem>>, vector<1x16xf32>,
        %get3A_109 = vector.shape_cast %get3A_108 : vector<1x16xf32> to vector<16xf32>
        %add3A_110 = arith.addf %add3A_90, %get3A_109 : vector<16xf32>
        %get3A_111 = arith.index_cast %scan3A_59 : i32 to index
        %get3A_112 = arith.constant 176 : index
        %get3A_113 = tpu.vector_load %arg4[%get3A_111, %get3A_112] {strides = array<i32>} : memref<32x768xf32, #tpu.memory_space<vmem>>, vector<1x16xf32>,
        %get3A_114 = vector.shape_cast %get3A_113 : vector<1x16xf32> to vector<16xf32>
        %add3A_115 = arith.addf %add3A_95, %get3A_114 : vector<16xf32>
        %get3A_116 = arith.index_cast %scan3A_59 : i32 to index
        %get3A_117 = arith.constant 192 : index
        %get3A_118 = tpu.vector_load %arg4[%get3A_116, %get3A_117] {strides = array<i32>} : memref<32x768xf32, #tpu.memory_space<vmem>>, vector<1x16xf32>,
        %get3A_119 = vector.shape_cast %get3A_118 : vector<1x16xf32> to vector<16xf32>
        %add3A_120 = arith.addf %add3A_100, %get3A_119 : vector<16xf32>
        %get3A_121 = arith.index_cast %scan3A_59 : i32 to index
        %get3A_122 = arith.constant 208 : index
        %get3A_123 = tpu.vector_load %arg4[%get3A_121, %get3A_122] {strides = array<i32>} : memref<32x768xf32, #tpu.memory_space<vmem>>, vector<1x16xf32>,
        %get3A_124 = vector.shape_cast %get3A_123 : vector<1x16xf32> to vector<16xf32>
        %add3A_125 = arith.addf %add3A_105, %get3A_124 : vector<16xf32>
        %get3A_126 = arith.index_cast %scan3A_59 : i32 to index
        %get3A_127 = arith.constant 224 : index
        %get3A_128 = tpu.vector_load %arg4[%get3A_126, %get3A_127] {strides = array<i32>} : memref<32x768xf32, #tpu.memory_space<vmem>>, vector<1x16xf32>,
        %get3A_129 = vector.shape_cast %get3A_128 : vector<1x16xf32> to vector<16xf32>
        %add3A_130 = arith.addf %add3A_110, %get3A_129 : vector<16xf32>
        %get3A_131 = arith.index_cast %scan3A_59 : i32 to index
        %get3A_132 = arith.constant 240 : index
        %get3A_133 = tpu.vector_load %arg4[%get3A_131, %get3A_132] {strides = array<i32>} : memref<32x768xf32, #tpu.memory_space<vmem>>, vector<1x16xf32>,
        %get3A_134 = vector.shape_cast %get3A_133 : vector<1x16xf32> to vector<16xf32>
        %add3A_135 = arith.addf %add3A_115, %get3A_134 : vector<16xf32>
        %get3A_136 = arith.index_cast %scan3A_59 : i32 to index
        %get3A_137 = arith.constant 256 : index
        %get3A_138 = tpu.vector_load %arg4[%get3A_136, %get3A_137] {strides = array<i32>} : memref<32x768xf32, #tpu.memory_space<vmem>>, vector<1x16xf32>,
        %get3A_139 = vector.shape_cast %get3A_138 : vector<1x16xf32> to vector<16xf32>
        %add3A_140 = arith.addf %add3A_120, %get3A_139 : vector<16xf32>
        %get3A_141 = arith.index_cast %scan3A_59 : i32 to index
        %get3A_142 = arith.constant 272 : index
        %get3A_143 = tpu.vector_load %arg4[%get3A_141, %get3A_142] {strides = array<i32>} : memref<32x768xf32, #tpu.memory_space<vmem>>, vector<1x16xf32>,
        %get3A_144 = vector.shape_cast %get3A_143 : vector<1x16xf32> to vector<16xf32>
        %add3A_145 = arith.addf %add3A_125, %get3A_144 : vector<16xf32>
        %get3A_146 = arith.index_cast %scan3A_59 : i32 to index
        %get3A_147 = arith.constant 288 : index
        %get3A_148 = tpu.vector_load %arg4[%get3A_146, %get3A_147] {strides = array<i32>} : memref<32x768xf32, #tpu.memory_space<vmem>>, vector<1x16xf32>,
        %get3A_149 = vector.shape_cast %get3A_148 : vector<1x16xf32> to vector<16xf32>
        %add3A_150 = arith.addf %add3A_130, %get3A_149 : vector<16xf32>
        %get3A_151 = arith.index_cast %scan3A_59 : i32 to index
        %get3A_152 = arith.constant 304 : index
        %get3A_153 = tpu.vector_load %arg4[%get3A_151, %get3A_152] {strides = array<i32>} : memref<32x768xf32, #tpu.memory_space<vmem>>, vector<1x16xf32>,
        %get3A_154 = vector.shape_cast %get3A_153 : vector<1x16xf32> to vector<16xf32>
        %add3A_155 = arith.addf %add3A_135, %get3A_154 : vector<16xf32>
        %get3A_156 = arith.index_cast %scan3A_59 : i32 to index
        %get3A_157 = arith.constant 320 : index
        %get3A_158 = tpu.vector_load %arg4[%get3A_156, %get3A_157] {strides = array<i32>} : memref<32x768xf32, #tpu.memory_space<vmem>>, vector<1x16xf32>,
        %get3A_159 = vector.shape_cast %get3A_158 : vector<1x16xf32> to vector<16xf32>
        %add3A_160 = arith.addf %add3A_140, %get3A_159 : vector<16xf32>
        %get3A_161 = arith.index_cast %scan3A_59 : i32 to index
        %get3A_162 = arith.constant 336 : index
        %get3A_163 = tpu.vector_load %arg4[%get3A_161, %get3A_162] {strides = array<i32>} : memref<32x768xf32, #tpu.memory_space<vmem>>, vector<1x16xf32>,
        %get3A_164 = vector.shape_cast %get3A_163 : vector<1x16xf32> to vector<16xf32>
        %add3A_165 = arith.addf %add3A_145, %get3A_164 : vector<16xf32>
        %get3A_166 = arith.index_cast %scan3A_59 : i32 to index
        %get3A_167 = arith.constant 352 : index
        %get3A_168 = tpu.vector_load %arg4[%get3A_166, %get3A_167] {strides = array<i32>} : memref<32x768xf32, #tpu.memory_space<vmem>>, vector<1x16xf32>,
        %get3A_169 = vector.shape_cast %get3A_168 : vector<1x16xf32> to vector<16xf32>
        %add3A_170 = arith.addf %add3A_150, %get3A_169 : vector<16xf32>
        %get3A_171 = arith.index_cast %scan3A_59 : i32 to index
        %get3A_172 = arith.constant 368 : index
        %get3A_173 = tpu.vector_load %arg4[%get3A_171, %get3A_172] {strides = array<i32>} : memref<32x768xf32, #tpu.memory_space<vmem>>, vector<1x16xf32>,
        %get3A_174 = vector.shape_cast %get3A_173 : vector<1x16xf32> to vector<16xf32>
        %add3A_175 = arith.addf %add3A_155, %get3A_174 : vector<16xf32>
        %get3A_176 = arith.index_cast %scan3A_59 : i32 to index
        %get3A_177 = arith.constant 384 : index
        %get3A_178 = tpu.vector_load %arg4[%get3A_176, %get3A_177] {strides = array<i32>} : memref<32x768xf32, #tpu.memory_space<vmem>>, vector<1x16xf32>,
        %get3A_179 = vector.shape_cast %get3A_178 : vector<1x16xf32> to vector<16xf32>
        %add3A_180 = arith.addf %add3A_160, %get3A_179 : vector<16xf32>
        %get3A_181 = arith.index_cast %scan3A_59 : i32 to index
        %get3A_182 = arith.constant 400 : index
        %get3A_183 = tpu.vector_load %arg4[%get3A_181, %get3A_182] {strides = array<i32>} : memref<32x768xf32, #tpu.memory_space<vmem>>, vector<1x16xf32>,
        %get3A_184 = vector.shape_cast %get3A_183 : vector<1x16xf32> to vector<16xf32>
        %add3A_185 = arith.addf %add3A_165, %get3A_184 : vector<16xf32>
        %get3A_186 = arith.index_cast %scan3A_59 : i32 to index
        %get3A_187 = arith.constant 416 : index
        %get3A_188 = tpu.vector_load %arg4[%get3A_186, %get3A_187] {strides = array<i32>} : memref<32x768xf32, #tpu.memory_space<vmem>>, vector<1x16xf32>,
        %get3A_189 = vector.shape_cast %get3A_188 : vector<1x16xf32> to vector<16xf32>
        %add3A_190 = arith.addf %add3A_170, %get3A_189 : vector<16xf32>
        %get3A_191 = arith.index_cast %scan3A_59 : i32 to index
        %get3A_192 = arith.constant 432 : index
        %get3A_193 = tpu.vector_load %arg4[%get3A_191, %get3A_192] {strides = array<i32>} : memref<32x768xf32, #tpu.memory_space<vmem>>, vector<1x16xf32>,
        %get3A_194 = vector.shape_cast %get3A_193 : vector<1x16xf32> to vector<16xf32>
        %add3A_195 = arith.addf %add3A_175, %get3A_194 : vector<16xf32>
        %get3A_196 = arith.index_cast %scan3A_59 : i32 to index
        %get3A_197 = arith.constant 448 : index
        %get3A_198 = tpu.vector_load %arg4[%get3A_196, %get3A_197] {strides = array<i32>} : memref<32x768xf32, #tpu.memory_space<vmem>>, vector<1x16xf32>,
        %get3A_199 = vector.shape_cast %get3A_198 : vector<1x16xf32> to vector<16xf32>
        %add3A_200 = arith.addf %add3A_180, %get3A_199 : vector<16xf32>
        %get3A_201 = arith.index_cast %scan3A_59 : i32 to index
        %get3A_202 = arith.constant 464 : index
        %get3A_203 = tpu.vector_load %arg4[%get3A_201, %get3A_202] {strides = array<i32>} : memref<32x768xf32, #tpu.memory_space<vmem>>, vector<1x16xf32>,
        %get3A_204 = vector.shape_cast %get3A_203 : vector<1x16xf32> to vector<16xf32>
        %add3A_205 = arith.addf %add3A_185, %get3A_204 : vector<16xf32>
        %get3A_206 = arith.index_cast %scan3A_59 : i32 to index
        %get3A_207 = arith.constant 480 : index
        %get3A_208 = tpu.vector_load %arg4[%get3A_206, %get3A_207] {strides = array<i32>} : memref<32x768xf32, #tpu.memory_space<vmem>>, vector<1x16xf32>,
        %get3A_209 = vector.shape_cast %get3A_208 : vector<1x16xf32> to vector<16xf32>
        %add3A_210 = arith.addf %add3A_190, %get3A_209 : vector<16xf32>
        %get3A_211 = arith.index_cast %scan3A_59 : i32 to index
        %get3A_212 = arith.constant 496 : index
        %get3A_213 = tpu.vector_load %arg4[%get3A_211, %get3A_212] {strides = array<i32>} : memref<32x768xf32, #tpu.memory_space<vmem>>, vector<1x16xf32>,
        %get3A_214 = vector.shape_cast %get3A_213 : vector<1x16xf32> to vector<16xf32>
        %add3A_215 = arith.addf %add3A_195, %get3A_214 : vector<16xf32>
        %get3A_216 = arith.index_cast %scan3A_59 : i32 to index
        %get3A_217 = arith.constant 512 : index
        %get3A_218 = tpu.vector_load %arg4[%get3A_216, %get3A_217] {strides = array<i32>} : memref<32x768xf32, #tpu.memory_space<vmem>>, vector<1x16xf32>,
        %get3A_219 = vector.shape_cast %get3A_218 : vector<1x16xf32> to vector<16xf32>
        %add3A_220 = arith.addf %add3A_200, %get3A_219 : vector<16xf32>
        %get3A_221 = arith.index_cast %scan3A_59 : i32 to index
        %get3A_222 = arith.constant 528 : index
        %get3A_223 = tpu.vector_load %arg4[%get3A_221, %get3A_222] {strides = array<i32>} : memref<32x768xf32, #tpu.memory_space<vmem>>, vector<1x16xf32>,
        %get3A_224 = vector.shape_cast %get3A_223 : vector<1x16xf32> to vector<16xf32>
        %add3A_225 = arith.addf %add3A_205, %get3A_224 : vector<16xf32>
        %get3A_226 = arith.index_cast %scan3A_59 : i32 to index
        %get3A_227 = arith.constant 544 : index
        %get3A_228 = tpu.vector_load %arg4[%get3A_226, %get3A_227] {strides = array<i32>} : memref<32x768xf32, #tpu.memory_space<vmem>>, vector<1x16xf32>,
        %get3A_229 = vector.shape_cast %get3A_228 : vector<1x16xf32> to vector<16xf32>
        %add3A_230 = arith.addf %add3A_210, %get3A_229 : vector<16xf32>
        %get3A_231 = arith.index_cast %scan3A_59 : i32 to index
        %get3A_232 = arith.constant 560 : index
        %get3A_233 = tpu.vector_load %arg4[%get3A_231, %get3A_232] {strides = array<i32>} : memref<32x768xf32, #tpu.memory_space<vmem>>, vector<1x16xf32>,
        %get3A_234 = vector.shape_cast %get3A_233 : vector<1x16xf32> to vector<16xf32>
        %add3A_235 = arith.addf %add3A_215, %get3A_234 : vector<16xf32>
        %get3A_236 = arith.index_cast %scan3A_59 : i32 to index
        %get3A_237 = arith.constant 576 : index
        %get3A_238 = tpu.vector_load %arg4[%get3A_236, %get3A_237] {strides = array<i32>} : memref<32x768xf32, #tpu.memory_space<vmem>>, vector<1x16xf32>,
        %get3A_239 = vector.shape_cast %get3A_238 : vector<1x16xf32> to vector<16xf32>
        %add3A_240 = arith.addf %add3A_220, %get3A_239 : vector<16xf32>
        %get3A_241 = arith.index_cast %scan3A_59 : i32 to index
        %get3A_242 = arith.constant 592 : index
        %get3A_243 = tpu.vector_load %arg4[%get3A_241, %get3A_242] {strides = array<i32>} : memref<32x768xf32, #tpu.memory_space<vmem>>, vector<1x16xf32>,
        %get3A_244 = vector.shape_cast %get3A_243 : vector<1x16xf32> to vector<16xf32>
        %add3A_245 = arith.addf %add3A_225, %get3A_244 : vector<16xf32>
        %get3A_246 = arith.index_cast %scan3A_59 : i32 to index
        %get3A_247 = arith.constant 608 : index
        %get3A_248 = tpu.vector_load %arg4[%get3A_246, %get3A_247] {strides = array<i32>} : memref<32x768xf32, #tpu.memory_space<vmem>>, vector<1x16xf32>,
        %get3A_249 = vector.shape_cast %get3A_248 : vector<1x16xf32> to vector<16xf32>
        %add3A_250 = arith.addf %add3A_230, %get3A_249 : vector<16xf32>
        %get3A_251 = arith.index_cast %scan3A_59 : i32 to index
        %get3A_252 = arith.constant 624 : index
        %get3A_253 = tpu.vector_load %arg4[%get3A_251, %get3A_252] {strides = array<i32>} : memref<32x768xf32, #tpu.memory_space<vmem>>, vector<1x16xf32>,
        %get3A_254 = vector.shape_cast %get3A_253 : vector<1x16xf32> to vector<16xf32>
        %add3A_255 = arith.addf %add3A_235, %get3A_254 : vector<16xf32>
        %get3A_256 = arith.index_cast %scan3A_59 : i32 to index
        %get3A_257 = arith.constant 640 : index
        %get3A_258 = tpu.vector_load %arg4[%get3A_256, %get3A_257] {strides = array<i32>} : memref<32x768xf32, #tpu.memory_space<vmem>>, vector<1x16xf32>,
        %get3A_259 = vector.shape_cast %get3A_258 : vector<1x16xf32> to vector<16xf32>
        %add3A_260 = arith.addf %add3A_240, %get3A_259 : vector<16xf32>
        %get3A_261 = arith.index_cast %scan3A_59 : i32 to index
        %get3A_262 = arith.constant 656 : index
        %get3A_263 = tpu.vector_load %arg4[%get3A_261, %get3A_262] {strides = array<i32>} : memref<32x768xf32, #tpu.memory_space<vmem>>, vector<1x16xf32>,
        %get3A_264 = vector.shape_cast %get3A_263 : vector<1x16xf32> to vector<16xf32>
        %add3A_265 = arith.addf %add3A_245, %get3A_264 : vector<16xf32>
        %get3A_266 = arith.index_cast %scan3A_59 : i32 to index
        %get3A_267 = arith.constant 672 : index
        %get3A_268 = tpu.vector_load %arg4[%get3A_266, %get3A_267] {strides = array<i32>} : memref<32x768xf32, #tpu.memory_space<vmem>>, vector<1x16xf32>,
        %get3A_269 = vector.shape_cast %get3A_268 : vector<1x16xf32> to vector<16xf32>
        %add3A_270 = arith.addf %add3A_250, %get3A_269 : vector<16xf32>
        %get3A_271 = arith.index_cast %scan3A_59 : i32 to index
        %get3A_272 = arith.constant 688 : index
        %get3A_273 = tpu.vector_load %arg4[%get3A_271, %get3A_272] {strides = array<i32>} : memref<32x768xf32, #tpu.memory_space<vmem>>, vector<1x16xf32>,
        %get3A_274 = vector.shape_cast %get3A_273 : vector<1x16xf32> to vector<16xf32>
        %add3A_275 = arith.addf %add3A_255, %get3A_274 : vector<16xf32>
        %get3A_276 = arith.index_cast %scan3A_59 : i32 to index
        %get3A_277 = arith.constant 704 : index
        %get3A_278 = tpu.vector_load %arg4[%get3A_276, %get3A_277] {strides = array<i32>} : memref<32x768xf32, #tpu.memory_space<vmem>>, vector<1x16xf32>,
        %get3A_279 = vector.shape_cast %get3A_278 : vector<1x16xf32> to vector<16xf32>
        %add3A_280 = arith.addf %add3A_260, %get3A_279 : vector<16xf32>
        %get3A_281 = arith.index_cast %scan3A_59 : i32 to index
        %get3A_282 = arith.constant 720 : index
        %get3A_283 = tpu.vector_load %arg4[%get3A_281, %get3A_282] {strides = array<i32>} : memref<32x768xf32, #tpu.memory_space<vmem>>, vector<1x16xf32>,
        %get3A_284 = vector.shape_cast %get3A_283 : vector<1x16xf32> to vector<16xf32>
        %add3A_285 = arith.addf %add3A_265, %get3A_284 : vector<16xf32>
        %get3A_286 = arith.index_cast %scan3A_59 : i32 to index
        %get3A_287 = arith.constant 736 : index
        %get3A_288 = tpu.vector_load %arg4[%get3A_286, %get3A_287] {strides = array<i32>} : memref<32x768xf32, #tpu.memory_space<vmem>>, vector<1x16xf32>,
        %get3A_289 = vector.shape_cast %get3A_288 : vector<1x16xf32> to vector<16xf32>
        %add3A_290 = arith.addf %add3A_270, %get3A_289 : vector<16xf32>
        %get3A_291 = arith.index_cast %scan3A_59 : i32 to index
        %get3A_292 = arith.constant 752 : index
        %get3A_293 = tpu.vector_load %arg4[%get3A_291, %get3A_292] {strides = array<i32>} : memref<32x768xf32, #tpu.memory_space<vmem>>, vector<1x16xf32>,
        %get3A_294 = vector.shape_cast %get3A_293 : vector<1x16xf32> to vector<16xf32>
        %add3A_295 = arith.addf %add3A_275, %get3A_294 : vector<16xf32>
        %add3A_296 = arith.addf %add3A_280, %add3A_285 : vector<16xf32>
        %add3A_297 = arith.addf %add3A_290, %add3A_295 : vector<16xf32>
        %add3A_298 = arith.addf %add3A_296, %add3A_297 : vector<16xf32>
        %mul3A_299 = arith.constant 32 : i32
        %mul3A_300 = arith.muli %mul3A_23, %mul3A_299 : i32
        %add3A_301 = arith.addi %mul3A_300, %scan3A_59 : i32
        %mul3A_302 = arith.constant 16 : i32
        %mul3A_303 = arith.muli %add3A_301, %mul3A_302 : i32
        %swap3A = arith.index_cast %mul3A_303 : i32 to index
        %swap3A_304 = tpu.vector_load %arg6[%swap3A] {strides = array<i32>} : memref<65536xf32, #tpu.memory_space<vmem>>, vector<16xf32>,
        %swap3A_305 = vector.shape_cast %swap3A_304 : vector<16xf32> to vector<16xf32>
        %swap3A_306 = vector.shape_cast %add3A_298 : vector<16xf32> to vector<16xf32>
        tpu.vector_store %arg6[%swap3A], %swap3A_306 {strides = array<i32>} : memref<65536xf32, #tpu.memory_space<vmem>>, vector<16xf32>,
        %scan3A_307 = arith.constant 0 : i32
        scf.yield %scan3A_307 : i32
      }
      %scan3A_33 = arith.constant 32 : i32
      %add3A_34 = arith.constant 1 : i32
      %add3A_35 = arith.addi %scan3A_20, %add3A_34 : i32
      %lt3A = arith.constant 64 : i32
      %lt3A_36 = arith.cmpi slt, %add3A_35, %lt3A : i32
      %convert_element_type3A = arith.extui %lt3A_36 : i1 to i32
      %cond3A = arith.constant 0 : i32
      %cond3A_37 = arith.cmpi ne, %convert_element_type3A, %cond3A : i32
      scf.if %cond3A_37 {
        %add3A_59 = arith.constant 2 : i32
        %add3A_60 = arith.addi %mul3A_23, %add3A_59 : i32
        %mul3A_61 = arith.constant 32 : i32
        %mul3A_62 = arith.muli %add3A_60, %mul3A_61 : i32
        %add3A_63 = arith.addi %mul3A_2, %mul3A_62 : i32
        %dma_start3A_64 = arith.constant 0 : i32
        %dma_start3A_65 = tpu.memref_slice %arg2[%add3A_63, %dma_start3A_64] : memref<131072x768xf32, #tpu.memory_space<hbm>> -> memref<32x768xf32, #tpu.memory_space<hbm>>
        %dma_start3A_66 = arith.constant 0 : i32
        %dma_start3A_67 = tpu.memref_slice %arg2[%add3A_63, %dma_start3A_66] : memref<131072x768xf32, #tpu.memory_space<hbm>> -> memref<32x768xf32, #tpu.memory_space<hbm>>
        tpu.enqueue_dma source(%dma_start3A_67 : memref<32x768xf32, #tpu.memory_space<hbm>>) target(%arg4 : memref<32x768xf32, #tpu.memory_space<vmem>>) target_semaphore(%arg7 : memref<!tpu.dma_semaphore, #tpu.memory_space<semaphore_mem>>)
      } else {
      }
      %dma_wait3A_38 = arith.constant 0 : i32
      %dma_wait3A_39 = tpu.memref_slice %arg2[%mul3A_2, %dma_wait3A_38] : memref<131072x768xf32, #tpu.memory_space<hbm>> -> memref<32x768xf32, #tpu.memory_space<hbm>>
      %dma_wait3A_40 = arith.constant 0 : i32
      %dma_wait3A_41 = tpu.memref_slice %arg2[%mul3A_2, %dma_wait3A_40] : memref<131072x768xf32, #tpu.memory_space<hbm>> -> memref<32x768xf32, #tpu.memory_space<hbm>>
      tpu.wait_dma2 semaphore(%arg8 : memref<!tpu.dma_semaphore, #tpu.memory_space<semaphore_mem>>) src(%dma_wait3A_41 : memref<32x768xf32, #tpu.memory_space<hbm>>) dst(%arg5 : memref<32x768xf32, #tpu.memory_space<vmem>>)
      %add3A_42 = arith.constant 1 : i32
      %add3A_43 = arith.addi %mul3A_23, %add3A_42 : i32
      %scan3A_44 = arith.constant 0 : i32
      %scan3A_45 = arith.constant 0 : i32
      %scan3A_46 = arith.constant 32 : i32
      %scan3A_47 = arith.addi %scan3A_45, %scan3A_46 : i32
      %scan3A_48 = arith.constant 1 : i32
      %scan3A_49 = scf.for %scan3A_59 = %scan3A_45 to %scan3A_47 step %scan3A_48 iter_args(%scan3A_60 = %scan3A_44) -> (i32)  : i32 {
        %get3A = arith.index_cast %scan3A_59 : i32 to index
        %get3A_61 = arith.constant 0 : index
        %get3A_62 = tpu.vector_load %arg5[%get3A, %get3A_61] {strides = array<i32>} : memref<32x768xf32, #tpu.memory_space<vmem>>, vector<1x16xf32>,
        %get3A_63 = vector.shape_cast %get3A_62 : vector<1x16xf32> to vector<16xf32>
        %get3A_64 = arith.index_cast %scan3A_59 : i32 to index
        %get3A_65 = arith.constant 16 : index
        %get3A_66 = tpu.vector_load %arg5[%get3A_64, %get3A_65] {strides = array<i32>} : memref<32x768xf32, #tpu.memory_space<vmem>>, vector<1x16xf32>,
        %get3A_67 = vector.shape_cast %get3A_66 : vector<1x16xf32> to vector<16xf32>
        %get3A_68 = arith.index_cast %scan3A_59 : i32 to index
        %get3A_69 = arith.constant 32 : index
        %get3A_70 = tpu.vector_load %arg5[%get3A_68, %get3A_69] {strides = array<i32>} : memref<32x768xf32, #tpu.memory_space<vmem>>, vector<1x16xf32>,
        %get3A_71 = vector.shape_cast %get3A_70 : vector<1x16xf32> to vector<16xf32>
        %get3A_72 = arith.index_cast %scan3A_59 : i32 to index
        %get3A_73 = arith.constant 48 : index
        %get3A_74 = tpu.vector_load %arg5[%get3A_72, %get3A_73] {strides = array<i32>} : memref<32x768xf32, #tpu.memory_space<vmem>>, vector<1x16xf32>,
        %get3A_75 = vector.shape_cast %get3A_74 : vector<1x16xf32> to vector<16xf32>
        %get3A_76 = arith.index_cast %scan3A_59 : i32 to index
        %get3A_77 = arith.constant 64 : index
        %get3A_78 = tpu.vector_load %arg5[%get3A_76, %get3A_77] {strides = array<i32>} : memref<32x768xf32, #tpu.memory_space<vmem>>, vector<1x16xf32>,
        %get3A_79 = vector.shape_cast %get3A_78 : vector<1x16xf32> to vector<16xf32>
        %add3A_80 = arith.addf %get3A_63, %get3A_79 : vector<16xf32>
        %get3A_81 = arith.index_cast %scan3A_59 : i32 to index
        %get3A_82 = arith.constant 80 : index
        %get3A_83 = tpu.vector_load %arg5[%get3A_81, %get3A_82] {strides = array<i32>} : memref<32x768xf32, #tpu.memory_space<vmem>>, vector<1x16xf32>,
        %get3A_84 = vector.shape_cast %get3A_83 : vector<1x16xf32> to vector<16xf32>
        %add3A_85 = arith.addf %get3A_67, %get3A_84 : vector<16xf32>
        %get3A_86 = arith.index_cast %scan3A_59 : i32 to index
        %get3A_87 = arith.constant 96 : index
        %get3A_88 = tpu.vector_load %arg5[%get3A_86, %get3A_87] {strides = array<i32>} : memref<32x768xf32, #tpu.memory_space<vmem>>, vector<1x16xf32>,
        %get3A_89 = vector.shape_cast %get3A_88 : vector<1x16xf32> to vector<16xf32>
        %add3A_90 = arith.addf %get3A_71, %get3A_89 : vector<16xf32>
        %get3A_91 = arith.index_cast %scan3A_59 : i32 to index
        %get3A_92 = arith.constant 112 : index
        %get3A_93 = tpu.vector_load %arg5[%get3A_91, %get3A_92] {strides = array<i32>} : memref<32x768xf32, #tpu.memory_space<vmem>>, vector<1x16xf32>,
        %get3A_94 = vector.shape_cast %get3A_93 : vector<1x16xf32> to vector<16xf32>
        %add3A_95 = arith.addf %get3A_75, %get3A_94 : vector<16xf32>
        %get3A_96 = arith.index_cast %scan3A_59 : i32 to index
        %get3A_97 = arith.constant 128 : index
        %get3A_98 = tpu.vector_load %arg5[%get3A_96, %get3A_97] {strides = array<i32>} : memref<32x768xf32, #tpu.memory_space<vmem>>, vector<1x16xf32>,
        %get3A_99 = vector.shape_cast %get3A_98 : vector<1x16xf32> to vector<16xf32>
        %add3A_100 = arith.addf %add3A_80, %get3A_99 : vector<16xf32>
        %get3A_101 = arith.index_cast %scan3A_59 : i32 to index
        %get3A_102 = arith.constant 144 : index
        %get3A_103 = tpu.vector_load %arg5[%get3A_101, %get3A_102] {strides = array<i32>} : memref<32x768xf32, #tpu.memory_space<vmem>>, vector<1x16xf32>,
        %get3A_104 = vector.shape_cast %get3A_103 : vector<1x16xf32> to vector<16xf32>
        %add3A_105 = arith.addf %add3A_85, %get3A_104 : vector<16xf32>
        %get3A_106 = arith.index_cast %scan3A_59 : i32 to index
        %get3A_107 = arith.constant 160 : index
        %get3A_108 = tpu.vector_load %arg5[%get3A_106, %get3A_107] {strides = array<i32>} : memref<32x768xf32, #tpu.memory_space<vmem>>, vector<1x16xf32>,
        %get3A_109 = vector.shape_cast %get3A_108 : vector<1x16xf32> to vector<16xf32>
        %add3A_110 = arith.addf %add3A_90, %get3A_109 : vector<16xf32>
        %get3A_111 = arith.index_cast %scan3A_59 : i32 to index
        %get3A_112 = arith.constant 176 : index
        %get3A_113 = tpu.vector_load %arg5[%get3A_111, %get3A_112] {strides = array<i32>} : memref<32x768xf32, #tpu.memory_space<vmem>>, vector<1x16xf32>,
        %get3A_114 = vector.shape_cast %get3A_113 : vector<1x16xf32> to vector<16xf32>
        %add3A_115 = arith.addf %add3A_95, %get3A_114 : vector<16xf32>
        %get3A_116 = arith.index_cast %scan3A_59 : i32 to index
        %get3A_117 = arith.constant 192 : index
        %get3A_118 = tpu.vector_load %arg5[%get3A_116, %get3A_117] {strides = array<i32>} : memref<32x768xf32, #tpu.memory_space<vmem>>, vector<1x16xf32>,
        %get3A_119 = vector.shape_cast %get3A_118 : vector<1x16xf32> to vector<16xf32>
        %add3A_120 = arith.addf %add3A_100, %get3A_119 : vector<16xf32>
        %get3A_121 = arith.index_cast %scan3A_59 : i32 to index
        %get3A_122 = arith.constant 208 : index
        %get3A_123 = tpu.vector_load %arg5[%get3A_121, %get3A_122] {strides = array<i32>} : memref<32x768xf32, #tpu.memory_space<vmem>>, vector<1x16xf32>,
        %get3A_124 = vector.shape_cast %get3A_123 : vector<1x16xf32> to vector<16xf32>
        %add3A_125 = arith.addf %add3A_105, %get3A_124 : vector<16xf32>
        %get3A_126 = arith.index_cast %scan3A_59 : i32 to index
        %get3A_127 = arith.constant 224 : index
        %get3A_128 = tpu.vector_load %arg5[%get3A_126, %get3A_127] {strides = array<i32>} : memref<32x768xf32, #tpu.memory_space<vmem>>, vector<1x16xf32>,
        %get3A_129 = vector.shape_cast %get3A_128 : vector<1x16xf32> to vector<16xf32>
        %add3A_130 = arith.addf %add3A_110, %get3A_129 : vector<16xf32>
        %get3A_131 = arith.index_cast %scan3A_59 : i32 to index
        %get3A_132 = arith.constant 240 : index
        %get3A_133 = tpu.vector_load %arg5[%get3A_131, %get3A_132] {strides = array<i32>} : memref<32x768xf32, #tpu.memory_space<vmem>>, vector<1x16xf32>,
        %get3A_134 = vector.shape_cast %get3A_133 : vector<1x16xf32> to vector<16xf32>
        %add3A_135 = arith.addf %add3A_115, %get3A_134 : vector<16xf32>
        %get3A_136 = arith.index_cast %scan3A_59 : i32 to index
        %get3A_137 = arith.constant 256 : index
        %get3A_138 = tpu.vector_load %arg5[%get3A_136, %get3A_137] {strides = array<i32>} : memref<32x768xf32, #tpu.memory_space<vmem>>, vector<1x16xf32>,
        %get3A_139 = vector.shape_cast %get3A_138 : vector<1x16xf32> to vector<16xf32>
        %add3A_140 = arith.addf %add3A_120, %get3A_139 : vector<16xf32>
        %get3A_141 = arith.index_cast %scan3A_59 : i32 to index
        %get3A_142 = arith.constant 272 : index
        %get3A_143 = tpu.vector_load %arg5[%get3A_141, %get3A_142] {strides = array<i32>} : memref<32x768xf32, #tpu.memory_space<vmem>>, vector<1x16xf32>,
        %get3A_144 = vector.shape_cast %get3A_143 : vector<1x16xf32> to vector<16xf32>
        %add3A_145 = arith.addf %add3A_125, %get3A_144 : vector<16xf32>
        %get3A_146 = arith.index_cast %scan3A_59 : i32 to index
        %get3A_147 = arith.constant 288 : index
        %get3A_148 = tpu.vector_load %arg5[%get3A_146, %get3A_147] {strides = array<i32>} : memref<32x768xf32, #tpu.memory_space<vmem>>, vector<1x16xf32>,
        %get3A_149 = vector.shape_cast %get3A_148 : vector<1x16xf32> to vector<16xf32>
        %add3A_150 = arith.addf %add3A_130, %get3A_149 : vector<16xf32>
        %get3A_151 = arith.index_cast %scan3A_59 : i32 to index
        %get3A_152 = arith.constant 304 : index
        %get3A_153 = tpu.vector_load %arg5[%get3A_151, %get3A_152] {strides = array<i32>} : memref<32x768xf32, #tpu.memory_space<vmem>>, vector<1x16xf32>,
        %get3A_154 = vector.shape_cast %get3A_153 : vector<1x16xf32> to vector<16xf32>
        %add3A_155 = arith.addf %add3A_135, %get3A_154 : vector<16xf32>
        %get3A_156 = arith.index_cast %scan3A_59 : i32 to index
        %get3A_157 = arith.constant 320 : index
        %get3A_158 = tpu.vector_load %arg5[%get3A_156, %get3A_157] {strides = array<i32>} : memref<32x768xf32, #tpu.memory_space<vmem>>, vector<1x16xf32>,
        %get3A_159 = vector.shape_cast %get3A_158 : vector<1x16xf32> to vector<16xf32>
        %add3A_160 = arith.addf %add3A_140, %get3A_159 : vector<16xf32>
        %get3A_161 = arith.index_cast %scan3A_59 : i32 to index
        %get3A_162 = arith.constant 336 : index
        %get3A_163 = tpu.vector_load %arg5[%get3A_161, %get3A_162] {strides = array<i32>} : memref<32x768xf32, #tpu.memory_space<vmem>>, vector<1x16xf32>,
        %get3A_164 = vector.shape_cast %get3A_163 : vector<1x16xf32> to vector<16xf32>
        %add3A_165 = arith.addf %add3A_145, %get3A_164 : vector<16xf32>
        %get3A_166 = arith.index_cast %scan3A_59 : i32 to index
        %get3A_167 = arith.constant 352 : index
        %get3A_168 = tpu.vector_load %arg5[%get3A_166, %get3A_167] {strides = array<i32>} : memref<32x768xf32, #tpu.memory_space<vmem>>, vector<1x16xf32>,
        %get3A_169 = vector.shape_cast %get3A_168 : vector<1x16xf32> to vector<16xf32>
        %add3A_170 = arith.addf %add3A_150, %get3A_169 : vector<16xf32>
        %get3A_171 = arith.index_cast %scan3A_59 : i32 to index
        %get3A_172 = arith.constant 368 : index
        %get3A_173 = tpu.vector_load %arg5[%get3A_171, %get3A_172] {strides = array<i32>} : memref<32x768xf32, #tpu.memory_space<vmem>>, vector<1x16xf32>,
        %get3A_174 = vector.shape_cast %get3A_173 : vector<1x16xf32> to vector<16xf32>
        %add3A_175 = arith.addf %add3A_155, %get3A_174 : vector<16xf32>
        %get3A_176 = arith.index_cast %scan3A_59 : i32 to index
        %get3A_177 = arith.constant 384 : index
        %get3A_178 = tpu.vector_load %arg5[%get3A_176, %get3A_177] {strides = array<i32>} : memref<32x768xf32, #tpu.memory_space<vmem>>, vector<1x16xf32>,
        %get3A_179 = vector.shape_cast %get3A_178 : vector<1x16xf32> to vector<16xf32>
        %add3A_180 = arith.addf %add3A_160, %get3A_179 : vector<16xf32>
        %get3A_181 = arith.index_cast %scan3A_59 : i32 to index
        %get3A_182 = arith.constant 400 : index
        %get3A_183 = tpu.vector_load %arg5[%get3A_181, %get3A_182] {strides = array<i32>} : memref<32x768xf32, #tpu.memory_space<vmem>>, vector<1x16xf32>,
        %get3A_184 = vector.shape_cast %get3A_183 : vector<1x16xf32> to vector<16xf32>
        %add3A_185 = arith.addf %add3A_165, %get3A_184 : vector<16xf32>
        %get3A_186 = arith.index_cast %scan3A_59 : i32 to index
        %get3A_187 = arith.constant 416 : index
        %get3A_188 = tpu.vector_load %arg5[%get3A_186, %get3A_187] {strides = array<i32>} : memref<32x768xf32, #tpu.memory_space<vmem>>, vector<1x16xf32>,
        %get3A_189 = vector.shape_cast %get3A_188 : vector<1x16xf32> to vector<16xf32>
        %add3A_190 = arith.addf %add3A_170, %get3A_189 : vector<16xf32>
        %get3A_191 = arith.index_cast %scan3A_59 : i32 to index
        %get3A_192 = arith.constant 432 : index
        %get3A_193 = tpu.vector_load %arg5[%get3A_191, %get3A_192] {strides = array<i32>} : memref<32x768xf32, #tpu.memory_space<vmem>>, vector<1x16xf32>,
        %get3A_194 = vector.shape_cast %get3A_193 : vector<1x16xf32> to vector<16xf32>
        %add3A_195 = arith.addf %add3A_175, %get3A_194 : vector<16xf32>
        %get3A_196 = arith.index_cast %scan3A_59 : i32 to index
        %get3A_197 = arith.constant 448 : index
        %get3A_198 = tpu.vector_load %arg5[%get3A_196, %get3A_197] {strides = array<i32>} : memref<32x768xf32, #tpu.memory_space<vmem>>, vector<1x16xf32>,
        %get3A_199 = vector.shape_cast %get3A_198 : vector<1x16xf32> to vector<16xf32>
        %add3A_200 = arith.addf %add3A_180, %get3A_199 : vector<16xf32>
        %get3A_201 = arith.index_cast %scan3A_59 : i32 to index
        %get3A_202 = arith.constant 464 : index
        %get3A_203 = tpu.vector_load %arg5[%get3A_201, %get3A_202] {strides = array<i32>} : memref<32x768xf32, #tpu.memory_space<vmem>>, vector<1x16xf32>,
        %get3A_204 = vector.shape_cast %get3A_203 : vector<1x16xf32> to vector<16xf32>
        %add3A_205 = arith.addf %add3A_185, %get3A_204 : vector<16xf32>
        %get3A_206 = arith.index_cast %scan3A_59 : i32 to index
        %get3A_207 = arith.constant 480 : index
        %get3A_208 = tpu.vector_load %arg5[%get3A_206, %get3A_207] {strides = array<i32>} : memref<32x768xf32, #tpu.memory_space<vmem>>, vector<1x16xf32>,
        %get3A_209 = vector.shape_cast %get3A_208 : vector<1x16xf32> to vector<16xf32>
        %add3A_210 = arith.addf %add3A_190, %get3A_209 : vector<16xf32>
        %get3A_211 = arith.index_cast %scan3A_59 : i32 to index
        %get3A_212 = arith.constant 496 : index
        %get3A_213 = tpu.vector_load %arg5[%get3A_211, %get3A_212] {strides = array<i32>} : memref<32x768xf32, #tpu.memory_space<vmem>>, vector<1x16xf32>,
        %get3A_214 = vector.shape_cast %get3A_213 : vector<1x16xf32> to vector<16xf32>
        %add3A_215 = arith.addf %add3A_195, %get3A_214 : vector<16xf32>
        %get3A_216 = arith.index_cast %scan3A_59 : i32 to index
        %get3A_217 = arith.constant 512 : index
        %get3A_218 = tpu.vector_load %arg5[%get3A_216, %get3A_217] {strides = array<i32>} : memref<32x768xf32, #tpu.memory_space<vmem>>, vector<1x16xf32>,
        %get3A_219 = vector.shape_cast %get3A_218 : vector<1x16xf32> to vector<16xf32>
        %add3A_220 = arith.addf %add3A_200, %get3A_219 : vector<16xf32>
        %get3A_221 = arith.index_cast %scan3A_59 : i32 to index
        %get3A_222 = arith.constant 528 : index
        %get3A_223 = tpu.vector_load %arg5[%get3A_221, %get3A_222] {strides = array<i32>} : memref<32x768xf32, #tpu.memory_space<vmem>>, vector<1x16xf32>,
        %get3A_224 = vector.shape_cast %get3A_223 : vector<1x16xf32> to vector<16xf32>
        %add3A_225 = arith.addf %add3A_205, %get3A_224 : vector<16xf32>
        %get3A_226 = arith.index_cast %scan3A_59 : i32 to index
        %get3A_227 = arith.constant 544 : index
        %get3A_228 = tpu.vector_load %arg5[%get3A_226, %get3A_227] {strides = array<i32>} : memref<32x768xf32, #tpu.memory_space<vmem>>, vector<1x16xf32>,
        %get3A_229 = vector.shape_cast %get3A_228 : vector<1x16xf32> to vector<16xf32>
        %add3A_230 = arith.addf %add3A_210, %get3A_229 : vector<16xf32>
        %get3A_231 = arith.index_cast %scan3A_59 : i32 to index
        %get3A_232 = arith.constant 560 : index
        %get3A_233 = tpu.vector_load %arg5[%get3A_231, %get3A_232] {strides = array<i32>} : memref<32x768xf32, #tpu.memory_space<vmem>>, vector<1x16xf32>,
        %get3A_234 = vector.shape_cast %get3A_233 : vector<1x16xf32> to vector<16xf32>
        %add3A_235 = arith.addf %add3A_215, %get3A_234 : vector<16xf32>
        %get3A_236 = arith.index_cast %scan3A_59 : i32 to index
        %get3A_237 = arith.constant 576 : index
        %get3A_238 = tpu.vector_load %arg5[%get3A_236, %get3A_237] {strides = array<i32>} : memref<32x768xf32, #tpu.memory_space<vmem>>, vector<1x16xf32>,
        %get3A_239 = vector.shape_cast %get3A_238 : vector<1x16xf32> to vector<16xf32>
        %add3A_240 = arith.addf %add3A_220, %get3A_239 : vector<16xf32>
        %get3A_241 = arith.index_cast %scan3A_59 : i32 to index
        %get3A_242 = arith.constant 592 : index
        %get3A_243 = tpu.vector_load %arg5[%get3A_241, %get3A_242] {strides = array<i32>} : memref<32x768xf32, #tpu.memory_space<vmem>>, vector<1x16xf32>,
        %get3A_244 = vector.shape_cast %get3A_243 : vector<1x16xf32> to vector<16xf32>
        %add3A_245 = arith.addf %add3A_225, %get3A_244 : vector<16xf32>
        %get3A_246 = arith.index_cast %scan3A_59 : i32 to index
        %get3A_247 = arith.constant 608 : index
        %get3A_248 = tpu.vector_load %arg5[%get3A_246, %get3A_247] {strides = array<i32>} : memref<32x768xf32, #tpu.memory_space<vmem>>, vector<1x16xf32>,
        %get3A_249 = vector.shape_cast %get3A_248 : vector<1x16xf32> to vector<16xf32>
        %add3A_250 = arith.addf %add3A_230, %get3A_249 : vector<16xf32>
        %get3A_251 = arith.index_cast %scan3A_59 : i32 to index
        %get3A_252 = arith.constant 624 : index
        %get3A_253 = tpu.vector_load %arg5[%get3A_251, %get3A_252] {strides = array<i32>} : memref<32x768xf32, #tpu.memory_space<vmem>>, vector<1x16xf32>,
        %get3A_254 = vector.shape_cast %get3A_253 : vector<1x16xf32> to vector<16xf32>
        %add3A_255 = arith.addf %add3A_235, %get3A_254 : vector<16xf32>
        %get3A_256 = arith.index_cast %scan3A_59 : i32 to index
        %get3A_257 = arith.constant 640 : index
        %get3A_258 = tpu.vector_load %arg5[%get3A_256, %get3A_257] {strides = array<i32>} : memref<32x768xf32, #tpu.memory_space<vmem>>, vector<1x16xf32>,
        %get3A_259 = vector.shape_cast %get3A_258 : vector<1x16xf32> to vector<16xf32>
        %add3A_260 = arith.addf %add3A_240, %get3A_259 : vector<16xf32>
        %get3A_261 = arith.index_cast %scan3A_59 : i32 to index
        %get3A_262 = arith.constant 656 : index
        %get3A_263 = tpu.vector_load %arg5[%get3A_261, %get3A_262] {strides = array<i32>} : memref<32x768xf32, #tpu.memory_space<vmem>>, vector<1x16xf32>,
        %get3A_264 = vector.shape_cast %get3A_263 : vector<1x16xf32> to vector<16xf32>
        %add3A_265 = arith.addf %add3A_245, %get3A_264 : vector<16xf32>
        %get3A_266 = arith.index_cast %scan3A_59 : i32 to index
        %get3A_267 = arith.constant 672 : index
        %get3A_268 = tpu.vector_load %arg5[%get3A_266, %get3A_267] {strides = array<i32>} : memref<32x768xf32, #tpu.memory_space<vmem>>, vector<1x16xf32>,
        %get3A_269 = vector.shape_cast %get3A_268 : vector<1x16xf32> to vector<16xf32>
        %add3A_270 = arith.addf %add3A_250, %get3A_269 : vector<16xf32>
        %get3A_271 = arith.index_cast %scan3A_59 : i32 to index
        %get3A_272 = arith.constant 688 : index
        %get3A_273 = tpu.vector_load %arg5[%get3A_271, %get3A_272] {strides = array<i32>} : memref<32x768xf32, #tpu.memory_space<vmem>>, vector<1x16xf32>,
        %get3A_274 = vector.shape_cast %get3A_273 : vector<1x16xf32> to vector<16xf32>
        %add3A_275 = arith.addf %add3A_255, %get3A_274 : vector<16xf32>
        %get3A_276 = arith.index_cast %scan3A_59 : i32 to index
        %get3A_277 = arith.constant 704 : index
        %get3A_278 = tpu.vector_load %arg5[%get3A_276, %get3A_277] {strides = array<i32>} : memref<32x768xf32, #tpu.memory_space<vmem>>, vector<1x16xf32>,
        %get3A_279 = vector.shape_cast %get3A_278 : vector<1x16xf32> to vector<16xf32>
        %add3A_280 = arith.addf %add3A_260, %get3A_279 : vector<16xf32>
        %get3A_281 = arith.index_cast %scan3A_59 : i32 to index
        %get3A_282 = arith.constant 720 : index
        %get3A_283 = tpu.vector_load %arg5[%get3A_281, %get3A_282] {strides = array<i32>} : memref<32x768xf32, #tpu.memory_space<vmem>>, vector<1x16xf32>,
        %get3A_284 = vector.shape_cast %get3A_283 : vector<1x16xf32> to vector<16xf32>
        %add3A_285 = arith.addf %add3A_265, %get3A_284 : vector<16xf32>
        %get3A_286 = arith.index_cast %scan3A_59 : i32 to index
        %get3A_287 = arith.constant 736 : index
        %get3A_288 = tpu.vector_load %arg5[%get3A_286, %get3A_287] {strides = array<i32>} : memref<32x768xf32, #tpu.memory_space<vmem>>, vector<1x16xf32>,
        %get3A_289 = vector.shape_cast %get3A_288 : vector<1x16xf32> to vector<16xf32>
        %add3A_290 = arith.addf %add3A_270, %get3A_289 : vector<16xf32>
        %get3A_291 = arith.index_cast %scan3A_59 : i32 to index
        %get3A_292 = arith.constant 752 : index
        %get3A_293 = tpu.vector_load %arg5[%get3A_291, %get3A_292] {strides = array<i32>} : memref<32x768xf32, #tpu.memory_space<vmem>>, vector<1x16xf32>,
        %get3A_294 = vector.shape_cast %get3A_293 : vector<1x16xf32> to vector<16xf32>
        %add3A_295 = arith.addf %add3A_275, %get3A_294 : vector<16xf32>
        %add3A_296 = arith.addf %add3A_280, %add3A_285 : vector<16xf32>
        %add3A_297 = arith.addf %add3A_290, %add3A_295 : vector<16xf32>
        %add3A_298 = arith.addf %add3A_296, %add3A_297 : vector<16xf32>
        %mul3A_299 = arith.constant 32 : i32
        %mul3A_300 = arith.muli %add3A_43, %mul3A_299 : i32
        %add3A_301 = arith.addi %mul3A_300, %scan3A_59 : i32
        %mul3A_302 = arith.constant 16 : i32
        %mul3A_303 = arith.muli %add3A_301, %mul3A_302 : i32
        %swap3A = arith.index_cast %mul3A_303 : i32 to index
        %swap3A_304 = tpu.vector_load %arg6[%swap3A] {strides = array<i32>} : memref<65536xf32, #tpu.memory_space<vmem>>, vector<16xf32>,
        %swap3A_305 = vector.shape_cast %swap3A_304 : vector<16xf32> to vector<16xf32>
        %swap3A_306 = vector.shape_cast %add3A_298 : vector<16xf32> to vector<16xf32>
        tpu.vector_store %arg6[%swap3A], %swap3A_306 {strides = array<i32>} : memref<65536xf32, #tpu.memory_space<vmem>>, vector<16xf32>,
        %scan3A_307 = arith.constant 0 : i32
        scf.yield %scan3A_307 : i32
      }
      %scan3A_50 = arith.constant 32 : i32
      %add3A_51 = arith.constant 1 : i32
      %add3A_52 = arith.addi %scan3A_20, %add3A_51 : i32
      %lt3A_53 = arith.constant 64 : i32
      %lt3A_54 = arith.cmpi slt, %add3A_52, %lt3A_53 : i32
      %convert_element_type3A_55 = arith.extui %lt3A_54 : i1 to i32
      %cond3A_56 = arith.constant 0 : i32
      %cond3A_57 = arith.cmpi ne, %convert_element_type3A_55, %cond3A_56 : i32
      scf.if %cond3A_57 {
        %add3A_59 = arith.constant 3 : i32
        %add3A_60 = arith.addi %mul3A_23, %add3A_59 : i32
        %mul3A_61 = arith.constant 32 : i32
        %mul3A_62 = arith.muli %add3A_60, %mul3A_61 : i32
        %add3A_63 = arith.addi %mul3A_2, %mul3A_62 : i32
        %dma_start3A_64 = arith.constant 0 : i32
        %dma_start3A_65 = tpu.memref_slice %arg2[%add3A_63, %dma_start3A_64] : memref<131072x768xf32, #tpu.memory_space<hbm>> -> memref<32x768xf32, #tpu.memory_space<hbm>>
        %dma_start3A_66 = arith.constant 0 : i32
        %dma_start3A_67 = tpu.memref_slice %arg2[%add3A_63, %dma_start3A_66] : memref<131072x768xf32, #tpu.memory_space<hbm>> -> memref<32x768xf32, #tpu.memory_space<hbm>>
        tpu.enqueue_dma source(%dma_start3A_67 : memref<32x768xf32, #tpu.memory_space<hbm>>) target(%arg5 : memref<32x768xf32, #tpu.memory_space<vmem>>) target_semaphore(%arg8 : memref<!tpu.dma_semaphore, #tpu.memory_space<semaphore_mem>>)
      } else {
      }
      %scan3A_58 = arith.constant 0 : i32
      scf.yield %scan3A_58 : i32
    }
    %scan3A_17 = arith.constant 64 : i32
    %mul3A_18 = arith.constant 16 : i32
    %mul3A_19 = arith.muli %mul3A_2, %mul3A_18 : i32
    "tpu.region"() ({
      %run_scoped3A = tpu.sem_alloc : memref<!tpu.dma_semaphore, #tpu.memory_space<semaphore_mem>>
      %dma_start3A_20 = tpu.memref_slice %arg3[%mul3A_19] : memref<2097152xf32, #tpu.memory_space<hbm>> -> memref<65536xf32, #tpu.memory_space<hbm>>
      %dma_start3A_21 = tpu.memref_slice %arg3[%mul3A_19] : memref<2097152xf32, #tpu.memory_space<hbm>> -> memref<65536xf32, #tpu.memory_space<hbm>>
      tpu.enqueue_dma source(%arg6 : memref<65536xf32, #tpu.memory_space<vmem>>) target(%dma_start3A_21 : memref<65536xf32, #tpu.memory_space<hbm>>) target_semaphore(%run_scoped3A : memref<!tpu.dma_semaphore, #tpu.memory_space<semaphore_mem>>)
      %dma_wait3A = tpu.memref_slice %arg3[%mul3A_19] : memref<2097152xf32, #tpu.memory_space<hbm>> -> memref<65536xf32, #tpu.memory_space<hbm>>
      %dma_wait3A_22 = tpu.memref_slice %arg3[%mul3A_19] : memref<2097152xf32, #tpu.memory_space<hbm>> -> memref<65536xf32, #tpu.memory_space<hbm>>
      tpu.wait_dma2 semaphore(%run_scoped3A : memref<!tpu.dma_semaphore, #tpu.memory_space<semaphore_mem>>) src(%arg6 : memref<65536xf32, #tpu.memory_space<vmem>>) dst(%dma_wait3A_22 : memref<65536xf32, #tpu.memory_space<hbm>>)
      tpu.yield
    }) : () -> ()
    return
  }
}

module attributes {stable_mosaic.version = 14 : i64} {
  func.func @_route_body(%arg0: memref<2048x768xf32, #tpu.memory_space<vmem>>, %arg1: memref<768x64xf32, #tpu.memory_space<vmem>>, %arg2: memref<2048x1xi32, #tpu.memory_space<vmem>>, %arg3: memref<2048x1xf32, #tpu.memory_space<vmem>>) attributes {dimension_semantics = [], scalar_prefetch = 0 : i64, scratch_operands = 0 : i64, tpu.core_type = #tpu.core_type<tc>} {
    %get3A = arith.constant 0 : index
    %get3A_0 = arith.constant 0 : index
    %get3A_1 = vector.load %arg0[%get3A, %get3A_0] : memref<2048x768xf32, #tpu.memory_space<vmem>>, vector<2048x768xf32>
    %get3A_2 = arith.constant 0 : index
    %get3A_3 = arith.constant 0 : index
    %get3A_4 = vector.load %arg1[%get3A_2, %get3A_3] : memref<768x64xf32, #tpu.memory_space<vmem>>, vector<768x64xf32>
    %dot_general3A = arith.constant dense<0.000000e+00> : vector<2048x64xf32>
    %dot_general3A_5 = tpu.matmul %get3A_1, %get3A_4, %dot_general3A {dimension_numbers = #tpu.dot_dimension_numbers<[1], [0], [0], [1], [0, 0, 1, 1], [], []>, transpose_lhs_hint = false} : vector<2048x768xf32>, vector<768x64xf32>, vector<2048x64xf32> -> vector<2048x64xf32>
    %reduce_max3A = arith.constant dense<0xFF800000> : vector<2048xf32>
    %reduce_max3A_6 = vector.multi_reduction <maximumf>, %dot_general3A_5, %reduce_max3A [1] : vector<2048x64xf32> to vector<2048xf32>
    %broadcast_in_dim3A = vector.shape_cast %reduce_max3A_6 : vector<2048xf32> to vector<2048x1xf32>
    %sub3A = vector.broadcast %broadcast_in_dim3A : vector<2048x1xf32> to vector<2048x64xf32>
    %sub3A_7 = arith.subf %dot_general3A_5, %sub3A : vector<2048x64xf32>
    %exp3A = math.exp %sub3A_7 : vector<2048x64xf32>
    %reduce_sum3A = arith.constant dense<0.000000e+00> : vector<2048xf32>
    %reduce_sum3A_8 = vector.multi_reduction <add>, %exp3A, %reduce_sum3A [1] : vector<2048x64xf32> to vector<2048xf32>
    %broadcast_in_dim3A_9 = vector.shape_cast %reduce_sum3A_8 : vector<2048xf32> to vector<2048x1xf32>
    %div3A = arith.constant 1.000000e+00 : f32
    %div3A_10 = vector.broadcast %div3A : f32 to vector<2048x1xf32>
    %div3A_11 = arith.divf %div3A_10, %broadcast_in_dim3A_9 : vector<2048x1xf32>
    %iota3A = tpu.iota {dimensions = array<i32: 1>} : vector<2048x64xi32>
    %eq3A = vector.broadcast %broadcast_in_dim3A : vector<2048x1xf32> to vector<2048x64xf32>
    %eq3A_12 = arith.cmpf oeq, %dot_general3A_5, %eq3A : vector<2048x64xf32>
    %jit3A = arith.constant 64 : i32
    %broadcast_in_dim3A_13 = vector.broadcast %jit3A : i32 to vector<2048x64xi32>
    %select_n3A = arith.select %eq3A_12, %iota3A, %broadcast_in_dim3A_13 : vector<2048x64xi1>, vector<2048x64xi32>
    %reduce_min3A = arith.constant dense<2147483647> : vector<2048xi32>
    %reduce_min3A_14 = vector.multi_reduction <minsi>, %select_n3A, %reduce_min3A [1] : vector<2048x64xi32> to vector<2048xi32>
    %broadcast_in_dim3A_15 = vector.shape_cast %reduce_min3A_14 : vector<2048xi32> to vector<2048x1xi32>
    %eq3A_16 = vector.broadcast %broadcast_in_dim3A_15 : vector<2048x1xi32> to vector<2048x64xi32>
    %eq3A_17 = arith.cmpi eq, %iota3A, %eq3A_16 : vector<2048x64xi32>
    %convert_element_type3A = arith.extui %eq3A_17 : vector<2048x64xi1> to vector<2048x64xi32>
    %convert_element_type3A_18 = arith.sitofp %convert_element_type3A : vector<2048x64xi32> to vector<2048x64xf32>
    %iota3A_19 = tpu.iota {dimensions = array<i32: 0>} : vector<2048x2048xi32>
    %iota3A_20 = tpu.iota {dimensions = array<i32: 1>} : vector<2048x2048xi32>
    %lt3A = arith.cmpi slt, %iota3A_20, %iota3A_19 : vector<2048x2048xi32>
    %convert_element_type3A_21 = arith.extui %lt3A : vector<2048x2048xi1> to vector<2048x2048xi32>
    %convert_element_type3A_22 = arith.sitofp %convert_element_type3A_21 : vector<2048x2048xi32> to vector<2048x2048xf32>
    %dot_general3A_23 = arith.constant dense<0.000000e+00> : vector<2048x64xf32>
    %dot_general3A_24 = tpu.matmul %convert_element_type3A_22, %convert_element_type3A_18, %dot_general3A_23 {dimension_numbers = #tpu.dot_dimension_numbers<[1], [0], [0], [1], [0, 0, 1, 1], [], []>, transpose_lhs_hint = false} : vector<2048x2048xf32>, vector<2048x64xf32>, vector<2048x64xf32> -> vector<2048x64xf32>
    %mul3A = arith.mulf %dot_general3A_24, %convert_element_type3A_18 : vector<2048x64xf32>
    %reduce_sum3A_25 = arith.constant dense<0.000000e+00> : vector<2048xf32>
    %reduce_sum3A_26 = vector.multi_reduction <add>, %mul3A, %reduce_sum3A_25 [1] : vector<2048x64xf32> to vector<2048xf32>
    %broadcast_in_dim3A_27 = vector.shape_cast %reduce_sum3A_26 : vector<2048xf32> to vector<2048x1xf32>
    %convert_element_type3A_28 = arith.fptosi %broadcast_in_dim3A_27 : vector<2048x1xf32> to vector<2048x1xi32>
    %lt3A_29 = arith.constant 40 : i32
    %lt3A_30 = vector.broadcast %lt3A_29 : i32 to vector<2048x1xi32>
    %lt3A_31 = arith.cmpi slt, %convert_element_type3A_28, %lt3A_30 : vector<2048x1xi32>
    %mul3A_32 = arith.constant 40 : i32
    %mul3A_33 = vector.broadcast %mul3A_32 : i32 to vector<2048x1xi32>
    %mul3A_34 = arith.muli %broadcast_in_dim3A_15, %mul3A_33 : vector<2048x1xi32>
    %add3A = arith.addi %mul3A_34, %convert_element_type3A_28 : vector<2048x1xi32>
    %jit3A_35 = arith.constant 2560 : i32
    %broadcast_in_dim3A_36 = vector.broadcast %jit3A_35 : i32 to vector<2048x1xi32>
    %select_n3A_37 = arith.select %lt3A_31, %add3A, %broadcast_in_dim3A_36 : vector<2048x1xi1>, vector<2048x1xi32>
    %swap3A = arith.constant 0 : index
    %swap3A_38 = arith.constant 0 : index
    %swap3A_39 = vector.load %arg2[%swap3A, %swap3A_38] : memref<2048x1xi32, #tpu.memory_space<vmem>>, vector<2048x1xi32>
    tpu.vector_store %arg2[%swap3A, %swap3A_38], %select_n3A_37 {strides = array<i32>} : memref<2048x1xi32, #tpu.memory_space<vmem>>, vector<2048x1xi32>,
    %jit3A_40 = arith.constant 0.000000e+00 : f32
    %broadcast_in_dim3A_41 = vector.broadcast %jit3A_40 : f32 to vector<2048x1xf32>
    %select_n3A_42 = arith.select %lt3A_31, %div3A_11, %broadcast_in_dim3A_41 : vector<2048x1xi1>, vector<2048x1xf32>
    %swap3A_43 = arith.constant 0 : index
    %swap3A_44 = arith.constant 0 : index
    %swap3A_45 = vector.load %arg3[%swap3A_43, %swap3A_44] : memref<2048x1xf32, #tpu.memory_space<vmem>>, vector<2048x1xf32>
    tpu.vector_store %arg3[%swap3A_43, %swap3A_44], %select_n3A_42 {strides = array<i32>} : memref<2048x1xf32, #tpu.memory_space<vmem>>, vector<2048x1xf32>,
    return
  }
}

module attributes {stable_mosaic.version = 14 : i64} {
  func.func @_h_body(%arg0: i32, %arg1: memref<2048x1xi32, #tpu.memory_space<vmem>>, %arg2: memref<2048x768xf32, #tpu.memory_space<vmem>>, %arg3: memref<1x768x2048xf32, #tpu.memory_space<vmem>>, %arg4: memref<1x1x2048xf32, #tpu.memory_space<vmem>>, %arg5: memref<40x2048xf32, #tpu.memory_space<vmem>>) attributes {dimension_semantics = [#tpu.dimension_semantics<arbitrary>], iteration_bounds = array<i64: 64>, scalar_prefetch = 0 : i64, scratch_operands = 0 : i64, tpu.core_type = #tpu.core_type<tc>, window_params = [{pipeline_mode = #tpu.pipeline_mode<synchronous>, transform_indices = @transform_0, window_bounds = array<i64: 2048, 1>}, {pipeline_mode = #tpu.pipeline_mode<synchronous>, transform_indices = @transform_1, window_bounds = array<i64: 2048, 768>}, {transform_indices = @transform_2, window_bounds = array<i64: 1, 768, 2048>}, {transform_indices = @transform_3, window_bounds = array<i64: 1, 1, 2048>}, {transform_indices = @transform_4, window_bounds = array<i64: 40, 2048>}]} {
    %get3A = arith.constant 0 : index
    %get3A_0 = arith.constant 0 : index
    %get3A_1 = vector.load %arg1[%get3A, %get3A_0] : memref<2048x1xi32, #tpu.memory_space<vmem>>, vector<2048x1xi32>
    %iota3A = tpu.iota {dimensions = array<i32: 1>} : vector<2048x40xi32>
    %mul3A = arith.constant 40 : i32
    %mul3A_2 = arith.muli %arg0, %mul3A : i32
    %add3A = vector.broadcast %mul3A_2 : i32 to vector<2048x40xi32>
    %add3A_3 = arith.addi %add3A, %iota3A : vector<2048x40xi32>
    %eq3A = vector.broadcast %get3A_1 : vector<2048x1xi32> to vector<2048x40xi32>
    %eq3A_4 = arith.cmpi eq, %eq3A, %add3A_3 : vector<2048x40xi32>
    %convert_element_type3A = arith.extui %eq3A_4 : vector<2048x40xi1> to vector<2048x40xi32>
    %convert_element_type3A_5 = arith.sitofp %convert_element_type3A : vector<2048x40xi32> to vector<2048x40xf32>
    %get3A_6 = arith.constant 0 : index
    %get3A_7 = arith.constant 0 : index
    %get3A_8 = vector.load %arg2[%get3A_6, %get3A_7] : memref<2048x768xf32, #tpu.memory_space<vmem>>, vector<2048x768xf32>
    %dot_general3A = arith.constant dense<0.000000e+00> : vector<40x768xf32>
    %dot_general3A_9 = tpu.matmul %convert_element_type3A_5, %get3A_8, %dot_general3A {dimension_numbers = #tpu.dot_dimension_numbers<[0], [0], [1], [1], [0, 1, 1, 1], [], []>, transpose_lhs_hint = false} : vector<2048x40xf32>, vector<2048x768xf32>, vector<40x768xf32> -> vector<40x768xf32>
    %get3A_10 = arith.constant 0 : index
    %get3A_11 = arith.constant 0 : index
    %get3A_12 = arith.constant 0 : index
    %get3A_13 = vector.load %arg3[%get3A_10, %get3A_11, %get3A_12] : memref<1x768x2048xf32, #tpu.memory_space<vmem>>, vector<1x768x2048xf32>
    %get3A_14 = vector.shape_cast %get3A_13 : vector<1x768x2048xf32> to vector<768x2048xf32>
    %dot_general3A_15 = arith.constant dense<0.000000e+00> : vector<40x2048xf32>
    %dot_general3A_16 = tpu.matmul %dot_general3A_9, %get3A_14, %dot_general3A_15 {dimension_numbers = #tpu.dot_dimension_numbers<[1], [0], [0], [1], [0, 0, 1, 1], [], []>, transpose_lhs_hint = false} : vector<40x768xf32>, vector<768x2048xf32>, vector<40x2048xf32> -> vector<40x2048xf32>
    %get3A_17 = arith.constant 0 : index
    %get3A_18 = arith.constant 0 : index
    %get3A_19 = arith.constant 0 : index
    %get3A_20 = vector.load %arg4[%get3A_17, %get3A_18, %get3A_19] : memref<1x1x2048xf32, #tpu.memory_space<vmem>>, vector<1x1x2048xf32>
    %get3A_21 = vector.shape_cast %get3A_20 : vector<1x1x2048xf32> to vector<1x2048xf32>
    %add3A_22 = vector.broadcast %get3A_21 : vector<1x2048xf32> to vector<40x2048xf32>
    %add3A_23 = arith.addf %dot_general3A_16, %add3A_22 : vector<40x2048xf32>
    %max3A = arith.constant 0.000000e+00 : f32
    %max3A_24 = vector.broadcast %max3A : f32 to vector<40x2048xf32>
    %max3A_25 = arith.maximumf %add3A_23, %max3A_24 : vector<40x2048xf32>
    %swap3A = arith.constant 0 : index
    %swap3A_26 = arith.constant 0 : index
    %swap3A_27 = vector.load %arg5[%swap3A, %swap3A_26] : memref<40x2048xf32, #tpu.memory_space<vmem>>, vector<40x2048xf32>
    tpu.vector_store %arg5[%swap3A, %swap3A_26], %max3A_25 {strides = array<i32>} : memref<40x2048xf32, #tpu.memory_space<vmem>>, vector<40x2048xf32>,
    return
  }
  func.func @transform_0(%arg0: i32) -> (i32, i32) {
    %c0_i32 = arith.constant 0 : i32
    %c0_i32_0 = arith.constant 0 : i32
    %c0_i32_1 = arith.constant 0 : i32
    return %c0_i32, %c0_i32_0 : i32, i32
  }
  func.func @transform_1(%arg0: i32) -> (i32, i32) {
    %c0_i32 = arith.constant 0 : i32
    %c0_i32_0 = arith.constant 0 : i32
    %c0_i32_1 = arith.constant 0 : i32
    return %c0_i32, %c0_i32_0 : i32, i32
  }
  func.func @transform_2(%arg0: i32) -> (i32, i32, i32) {
    %c0_i32 = arith.constant 0 : i32
    %c0_i32_0 = arith.constant 0 : i32
    %c0_i32_1 = arith.constant 0 : i32
    return %arg0, %c0_i32, %c0_i32_0 : i32, i32, i32
  }
  func.func @transform_3(%arg0: i32) -> (i32, i32, i32) {
    %c0_i32 = arith.constant 0 : i32
    %c0_i32_0 = arith.constant 0 : i32
    %c0_i32_1 = arith.constant 0 : i32
    return %arg0, %c0_i32, %c0_i32_0 : i32, i32, i32
  }
  func.func @transform_4(%arg0: i32) -> (i32, i32) {
    %c0_i32 = arith.constant 0 : i32
    %c0_i32_0 = arith.constant 0 : i32
    return %arg0, %c0_i32 : i32, i32
  }
}

module attributes {stable_mosaic.version = 14 : i64} {
  func.func @_combine_body(%arg0: i32, %arg1: memref<2048x1xi32, #tpu.memory_space<vmem>>, %arg2: memref<2048x1xf32, #tpu.memory_space<vmem>>, %arg3: memref<320x2048xf32, #tpu.memory_space<vmem>>, %arg4: memref<8x2048x16xf32, #tpu.memory_space<vmem>>, %arg5: memref<8x1x768xf32, #tpu.memory_space<vmem>>, %arg6: memref<2048x1xf32, #tpu.memory_space<vmem>>, %arg7: memref<2048x1xf32, #tpu.memory_space<vmem>>) attributes {dimension_semantics = [#tpu.dimension_semantics<arbitrary>], iteration_bounds = array<i64: 8>, scalar_prefetch = 0 : i64, scratch_operands = 1 : i64, tpu.core_type = #tpu.core_type<tc>, window_params = [{pipeline_mode = #tpu.pipeline_mode<synchronous>, transform_indices = @transform_0, window_bounds = array<i64: 2048, 1>}, {pipeline_mode = #tpu.pipeline_mode<synchronous>, transform_indices = @transform_1, window_bounds = array<i64: 2048, 1>}, {transform_indices = @transform_2, window_bounds = array<i64: 320, 2048>}, {transform_indices = @transform_3, window_bounds = array<i64: 8, 2048, 16>}, {transform_indices = @transform_4, window_bounds = array<i64: 8, 1, 768>}, {pipeline_mode = #tpu.pipeline_mode<synchronous>, transform_indices = @transform_5, window_bounds = array<i64: 2048, 1>}]} {
    %get3A = arith.constant 0 : index
    %get3A_0 = arith.constant 0 : index
    %get3A_1 = vector.load %arg1[%get3A, %get3A_0] : memref<2048x1xi32, #tpu.memory_space<vmem>>, vector<2048x1xi32>
    %iota3A = tpu.iota {dimensions = array<i32: 1>} : vector<2048x320xi32>
    %mul3A = arith.constant 320 : i32
    %mul3A_2 = arith.muli %arg0, %mul3A : i32
    %add3A = vector.broadcast %mul3A_2 : i32 to vector<2048x320xi32>
    %add3A_3 = arith.addi %add3A, %iota3A : vector<2048x320xi32>
    %eq3A = vector.broadcast %get3A_1 : vector<2048x1xi32> to vector<2048x320xi32>
    %eq3A_4 = arith.cmpi eq, %eq3A, %add3A_3 : vector<2048x320xi32>
    %convert_element_type3A = arith.extui %eq3A_4 : vector<2048x320xi1> to vector<2048x320xi32>
    %convert_element_type3A_5 = arith.sitofp %convert_element_type3A : vector<2048x320xi32> to vector<2048x320xf32>
    %iota3A_6 = tpu.iota {dimensions = array<i32: 0>} : vector<320x8xi32>
    %jit3A = arith.constant 40 : i32
    %div3A = vector.broadcast %jit3A : i32 to vector<320x8xi32>
    %div3A_7 = arith.divsi %iota3A_6, %div3A : vector<320x8xi32>
    %sign3A = arith.constant 0 : i32
    %sign3A_8 = vector.broadcast %sign3A : i32 to vector<320x8xi32>
    %sign3A_9 = arith.cmpi sgt, %iota3A_6, %sign3A_8 : vector<320x8xi32>
    %sign3A_10 = arith.extui %sign3A_9 : vector<320x8xi1> to vector<320x8xi32>
    %sign3A_11 = arith.constant 0 : i32
    %sign3A_12 = vector.broadcast %sign3A_11 : i32 to vector<320x8xi32>
    %sign3A_13 = arith.cmpi slt, %iota3A_6, %sign3A_12 : vector<320x8xi32>
    %sign3A_14 = arith.extui %sign3A_13 : vector<320x8xi1> to vector<320x8xi32>
    %sign3A_15 = arith.subi %sign3A_10, %sign3A_14 : vector<320x8xi32>
    %sign3A_16 = arith.constant 0 : i32
    %sign3A_17 = arith.cmpi sgt, %jit3A, %sign3A_16 : i32
    %sign3A_18 = arith.extui %sign3A_17 : i1 to i32
    %sign3A_19 = arith.constant 0 : i32
    %sign3A_20 = arith.cmpi slt, %jit3A, %sign3A_19 : i32
    %sign3A_21 = arith.extui %sign3A_20 : i1 to i32
    %sign3A_22 = arith.subi %sign3A_18, %sign3A_21 : i32
    %ne3A = vector.broadcast %sign3A_22 : i32 to vector<320x8xi32>
    %ne3A_23 = arith.cmpi ne, %sign3A_15, %ne3A : vector<320x8xi32>
    %rem3A = vector.broadcast %jit3A : i32 to vector<320x8xi32>
    %rem3A_24 = arith.remsi %iota3A_6, %rem3A : vector<320x8xi32>
    %ne3A_25 = arith.constant 0 : i32
    %ne3A_26 = vector.broadcast %ne3A_25 : i32 to vector<320x8xi32>
    %ne3A_27 = arith.cmpi ne, %rem3A_24, %ne3A_26 : vector<320x8xi32>
    %and3A = arith.andi %ne3A_23, %ne3A_27 : vector<320x8xi1>
    %sub3A = arith.constant 1 : i32
    %sub3A_28 = vector.broadcast %sub3A : i32 to vector<320x8xi32>
    %sub3A_29 = arith.subi %div3A_7, %sub3A_28 : vector<320x8xi32>
    %select_n3A = arith.select %and3A, %sub3A_29, %div3A_7 : vector<320x8xi1>, vector<320x8xi32>
    %iota3A_30 = tpu.iota {dimensions = array<i32: 1>} : vector<320x8xi32>
    %eq3A_31 = arith.cmpi eq, %select_n3A, %iota3A_30 : vector<320x8xi32>
    %convert_element_type3A_32 = arith.extui %eq3A_31 : vector<320x8xi1> to vector<320x8xi32>
    %convert_element_type3A_33 = arith.sitofp %convert_element_type3A_32 : vector<320x8xi32> to vector<320x8xf32>
    %get3A_34 = arith.constant 0 : index
    %get3A_35 = arith.constant 0 : index
    %get3A_36 = arith.constant 0 : index
    %get3A_37 = vector.load %arg4[%get3A_34, %get3A_35, %get3A_36] : memref<8x2048x16xf32, #tpu.memory_space<vmem>>, vector<8x2048x16xf32>
    %reduce_sum3A = arith.constant dense<0.000000e+00> : vector<8x2048xf32>
    %reduce_sum3A_38 = vector.multi_reduction <add>, %get3A_37, %reduce_sum3A [2] : vector<8x2048x16xf32> to vector<8x2048xf32>
    %dot_general3A = arith.constant dense<0.000000e+00> : vector<320x2048xf32>
    %dot_general3A_39 = tpu.matmul %convert_element_type3A_33, %reduce_sum3A_38, %dot_general3A {dimension_numbers = #tpu.dot_dimension_numbers<[1], [0], [0], [1], [0, 0, 1, 1], [], []>, transpose_lhs_hint = false} : vector<320x8xf32>, vector<8x2048xf32>, vector<320x2048xf32> -> vector<320x2048xf32>
    %get3A_40 = arith.constant 0 : index
    %get3A_41 = arith.constant 0 : index
    %get3A_42 = vector.load %arg3[%get3A_40, %get3A_41] : memref<320x2048xf32, #tpu.memory_space<vmem>>, vector<320x2048xf32>
    %mul3A_43 = arith.mulf %get3A_42, %dot_general3A_39 : vector<320x2048xf32>
    %reduce_sum3A_44 = arith.constant dense<0.000000e+00> : vector<320xf32>
    %reduce_sum3A_45 = vector.multi_reduction <add>, %mul3A_43, %reduce_sum3A_44 [1] : vector<320x2048xf32> to vector<320xf32>
    %broadcast_in_dim3A = vector.shape_cast %reduce_sum3A_45 : vector<320xf32> to vector<320x1xf32>
    %get3A_46 = arith.constant 0 : index
    %get3A_47 = arith.constant 0 : index
    %get3A_48 = arith.constant 0 : index
    %get3A_49 = vector.load %arg5[%get3A_46, %get3A_47, %get3A_48] : memref<8x1x768xf32, #tpu.memory_space<vmem>>, vector<8x1x768xf32>
    %get3A_50 = vector.shape_cast %get3A_49 : vector<8x1x768xf32> to vector<8x768xf32>
    %reduce_sum3A_51 = arith.constant dense<0.000000e+00> : vector<8xf32>
    %reduce_sum3A_52 = vector.multi_reduction <add>, %get3A_50, %reduce_sum3A_51 [1] : vector<8x768xf32> to vector<8xf32>
    %broadcast_in_dim3A_53 = vector.shape_cast %reduce_sum3A_52 : vector<8xf32> to vector<8x1xf32>
    %dot_general3A_54 = arith.constant dense<0.000000e+00> : vector<320x1xf32>
    %dot_general3A_55 = tpu.matmul %convert_element_type3A_33, %broadcast_in_dim3A_53, %dot_general3A_54 {dimension_numbers = #tpu.dot_dimension_numbers<[1], [0], [0], [1], [0, 0, 1, 1], [], []>, transpose_lhs_hint = false} : vector<320x8xf32>, vector<8x1xf32>, vector<320x1xf32> -> vector<320x1xf32>
    %add3A_56 = arith.addf %broadcast_in_dim3A, %dot_general3A_55 : vector<320x1xf32>
    %dot_general3A_57 = arith.constant dense<0.000000e+00> : vector<2048x1xf32>
    %dot_general3A_58 = tpu.matmul %convert_element_type3A_5, %add3A_56, %dot_general3A_57 {dimension_numbers = #tpu.dot_dimension_numbers<[1], [0], [0], [1], [0, 0, 1, 1], [], []>, transpose_lhs_hint = false} : vector<2048x320xf32>, vector<320x1xf32>, vector<2048x1xf32> -> vector<2048x1xf32>
    %eq3A_59 = arith.constant 0 : i32
    %eq3A_60 = arith.cmpi eq, %arg0, %eq3A_59 : i32
    %convert_element_type3A_61 = arith.extui %eq3A_60 : i1 to i32
    %cond3A = arith.constant 0 : i32
    %cond3A_62 = arith.cmpi ne, %convert_element_type3A_61, %cond3A : i32
    scf.if %cond3A_62 {
      %swap3A = arith.constant 0 : index
      %swap3A_72 = arith.constant 0 : index
      %swap3A_73 = vector.load %arg7[%swap3A, %swap3A_72] : memref<2048x1xf32, #tpu.memory_space<vmem>>, vector<2048x1xf32>
      tpu.vector_store %arg7[%swap3A, %swap3A_72], %dot_general3A_58 {strides = array<i32>} : memref<2048x1xf32, #tpu.memory_space<vmem>>, vector<2048x1xf32>,
    } else {
    }
    %gt3A = arith.constant 0 : i32
    %gt3A_63 = arith.cmpi sgt, %arg0, %gt3A : i32
    %convert_element_type3A_64 = arith.extui %gt3A_63 : i1 to i32
    %cond3A_65 = arith.constant 0 : i32
    %cond3A_66 = arith.cmpi ne, %convert_element_type3A_64, %cond3A_65 : i32
    scf.if %cond3A_66 {
      %get3A_72 = arith.constant 0 : index
      %get3A_73 = arith.constant 0 : index
      %get3A_74 = vector.load %arg7[%get3A_72, %get3A_73] : memref<2048x1xf32, #tpu.memory_space<vmem>>, vector<2048x1xf32>
      %add3A_75 = arith.addf %get3A_74, %dot_general3A_58 : vector<2048x1xf32>
      %swap3A = arith.constant 0 : index
      %swap3A_76 = arith.constant 0 : index
      %swap3A_77 = vector.load %arg7[%swap3A, %swap3A_76] : memref<2048x1xf32, #tpu.memory_space<vmem>>, vector<2048x1xf32>
      tpu.vector_store %arg7[%swap3A, %swap3A_76], %add3A_75 {strides = array<i32>} : memref<2048x1xf32, #tpu.memory_space<vmem>>, vector<2048x1xf32>,
    } else {
    }
    %eq3A_67 = arith.constant 7 : i32
    %eq3A_68 = arith.cmpi eq, %arg0, %eq3A_67 : i32
    %convert_element_type3A_69 = arith.extui %eq3A_68 : i1 to i32
    %cond3A_70 = arith.constant 0 : i32
    %cond3A_71 = arith.cmpi ne, %convert_element_type3A_69, %cond3A_70 : i32
    scf.if %cond3A_71 {
      %get3A_72 = arith.constant 0 : index
      %get3A_73 = arith.constant 0 : index
      %get3A_74 = vector.load %arg7[%get3A_72, %get3A_73] : memref<2048x1xf32, #tpu.memory_space<vmem>>, vector<2048x1xf32>
      %get3A_75 = arith.constant 0 : index
      %get3A_76 = arith.constant 0 : index
      %get3A_77 = vector.load %arg2[%get3A_75, %get3A_76] : memref<2048x1xf32, #tpu.memory_space<vmem>>, vector<2048x1xf32>
      %mul3A_78 = arith.mulf %get3A_74, %get3A_77 : vector<2048x1xf32>
      %reduce_max3A = arith.constant dense<0xFF800000> : vector<1xf32>
      %reduce_max3A_79 = vector.multi_reduction <maximumf>, %mul3A_78, %reduce_max3A [0] : vector<2048x1xf32> to vector<1xf32>
      %broadcast_in_dim3A_80 = vector.shape_cast %reduce_max3A_79 : vector<1xf32> to vector<1x1xf32>
      %sub3A_81 = vector.broadcast %broadcast_in_dim3A_80 : vector<1x1xf32> to vector<2048x1xf32>
      %sub3A_82 = arith.subf %mul3A_78, %sub3A_81 : vector<2048x1xf32>
      %exp3A = math.exp %sub3A_82 : vector<2048x1xf32>
      %reduce_sum3A_83 = arith.constant dense<0.000000e+00> : vector<1xf32>
      %reduce_sum3A_84 = vector.multi_reduction <add>, %exp3A, %reduce_sum3A_83 [0] : vector<2048x1xf32> to vector<1xf32>
      %broadcast_in_dim3A_85 = vector.shape_cast %reduce_sum3A_84 : vector<1xf32> to vector<1x1xf32>
      %log3A = math.log %broadcast_in_dim3A_85 : vector<1x1xf32>
      %add3A_86 = arith.addf %log3A, %broadcast_in_dim3A_80 : vector<1x1xf32>
      %sub3A_87 = vector.broadcast %add3A_86 : vector<1x1xf32> to vector<2048x1xf32>
      %sub3A_88 = arith.subf %mul3A_78, %sub3A_87 : vector<2048x1xf32>
      %swap3A = arith.constant 0 : index
      %swap3A_89 = arith.constant 0 : index
      %swap3A_90 = vector.load %arg6[%swap3A, %swap3A_89] : memref<2048x1xf32, #tpu.memory_space<vmem>>, vector<2048x1xf32>
      tpu.vector_store %arg6[%swap3A, %swap3A_89], %sub3A_88 {strides = array<i32>} : memref<2048x1xf32, #tpu.memory_space<vmem>>, vector<2048x1xf32>,
    } else {
    }
    return
  }
  func.func @transform_0(%arg0: i32) -> (i32, i32) {
    %c0_i32 = arith.constant 0 : i32
    %c0_i32_0 = arith.constant 0 : i32
    %c0_i32_1 = arith.constant 0 : i32
    return %c0_i32, %c0_i32_0 : i32, i32
  }
  func.func @transform_1(%arg0: i32) -> (i32, i32) {
    %c0_i32 = arith.constant 0 : i32
    %c0_i32_0 = arith.constant 0 : i32
    %c0_i32_1 = arith.constant 0 : i32
    return %c0_i32, %c0_i32_0 : i32, i32
  }
  func.func @transform_2(%arg0: i32) -> (i32, i32) {
    %c0_i32 = arith.constant 0 : i32
    %c0_i32_0 = arith.constant 0 : i32
    return %arg0, %c0_i32 : i32, i32
  }
  func.func @transform_3(%arg0: i32) -> (i32, i32, i32) {
    %c0_i32 = arith.constant 0 : i32
    %c0_i32_0 = arith.constant 0 : i32
    %c0_i32_1 = arith.constant 0 : i32
    return %arg0, %c0_i32, %c0_i32_0 : i32, i32, i32
  }
  func.func @transform_4(%arg0: i32) -> (i32, i32, i32) {
    %c0_i32 = arith.constant 0 : i32
    %c0_i32_0 = arith.constant 0 : i32
    %c0_i32_1 = arith.constant 0 : i32
    return %arg0, %c0_i32, %c0_i32_0 : i32, i32, i32
  }
  func.func @transform_5(%arg0: i32) -> (i32, i32) {
    %c0_i32 = arith.constant 0 : i32
    %c0_i32_0 = arith.constant 0 : i32
    %c0_i32_1 = arith.constant 0 : i32
    return %c0_i32, %c0_i32_0 : i32, i32
  }
}

</mosaic_0001>

<sc_bundles>
// kernel: kernel.6.cloned.1.call-start
scs
__scs_entry_jumppad:
0x0: {  	(pc) =	sbr.rel $0x88, $3  }
0x1: {  	(tag) =	ssettag $0x0;
	lr =	simm.s32 $0x1  }
0x2: {  	[smem:$0x3F9B] =	sst lr;
	_ =	strace $0xD0000000  }
0x3: {  	_ = 	snop  }
0x4: {  	_ = 	snop  }
0x5: {  	_ = 	snop  }
0x6: {  	_ = 	snop  }
0x7: {  	_ = 	snop  }
__scs_overlays_trampoline_lowered:
0x8: {  	[smem:$0x3FAA] =	sst s0  }
0x9: {  	[smem:$0x3FAB] =	sst s1  }
0xa: {  	[smem:$0x3FAC] =	sst s2  }
0xb: {  	[smem:$0x3FAD] =	sst s3  }
0xc: {  	[smem:$0x3FAE] =	sst s4  }
0xd: {  	[smem:$0x3FAF] =	sst s5  }
0xe: {  	[smem:$0x3FB0] =	sst s6  }
0xf: {  	[smem:$0x3FB1] =	sst s7  }
0x10: {  	[smem:$0x3FB2] =	sst s8  }
0x11: {  	[smem:$0x3FB3] =	sst s9;
	s0 =	simm.s32 @!p0 $0x0  }
0x12: {  	s1 =	sld [smem:$0x3F99];
	s0 =	simm.s32 @p0 $0x1  }
0x13: {  	[smem:$0x3FB4] =	sst s0;
	s0 =	simm.s32 @!p1 $0x0  }
0x14: {  	s2 =	sld [smem:$0x3F98];
	s0 =	simm.s32 @p1 $0x1  }
0x15: {  	[smem:$0x3FB5] =	sst s0;
	s0 =	simm.s32 @!p2 $0x0  }
0x16: {  	s3 =	sld [smem:$0x3FDB];
	s0 =	simm.s32 @p2 $0x1  }
0x17: {  	s4 =	simm.s32 $0x1BF5;
	[smem:$0x3FB7] =	sst s0  }
0x18: {  	s0 =	sld [smem:$0x3F9A];
	_ =	swait.ge [sflag:s4], $0x0  }
0x19: {  	s7 =	sld [smem:$0x3F9B]  }
0x1a: {  	s8 =	sadd.s32 $0xFFFFE003, lr  }
0x1b: {  	s9 =	sadd.s32 $0xFFFFFEF7, lr;
	s5 =	simm.s32 $0xFFFFFFFF;
	p2 =	slt.u32 s8, $0xFFFFF086  }
0x1c: {  	p1 =	slt.u32 s9, $0xF7A;
	s5 =	simm.s32 @!p2 $0x0  }
0x1d: {  	s5 =	simm.s32 @p1 $0x1;
	p0 =	seq.s32 s7, s2  }
0x1e: {  	s7 =	smul.u32 @!p0 $0xF7A, s2;
	p2 =	seq.s32 @!p0 s5, $0x0  }
0x1f: {  	s9 =	smul.u32 $0xF7A, s1;
	s8 =	simm.s32 @!p0 $0x1BF5;
	p2 =	por !p2, p0  }
0x20: {  	[sflag:s8] =	ssyncset.s32 @!p0 $0xFFFFF086;
	s6 =	sadd.s32 @!p0 s3, s7;
	s7 =	simm.s32 @!p0 $0x108  }
0x21: {  	s3 =	sadd.s32 s3, s9;
	s6 =	sadd.s32 @!p0 $0x88, s6;
	s7 =	simm.s32 @p2 $0x1082  }
0x22: {  	[simem:s7], [sflag:s8] =	dma.local @!p0 [hbm:s6], $0xF7A  }
0x23: {  	s9 =	sor.u32 $0xD0000000, s2;
	s6 =	simm.s32 $0x108;
	_ =	swait.ge @!p0 [sflag:s8], $0x0  }
0x24: {  	s3 =	sadd.s32 $0x88, s3;
	s6 =	simm.s32 @!p1 $0x1082;
	[sflag:s4] =	ssyncset.s32 $0xFFFFF086  }
0x25: {  	[simem:s6], [sflag:s4] =	dma.local [hbm:s3], $0xF7A  }
0x26: {  	[smem:$0x3F9B] =	sst s1;
	(tag) =	ssettag s2;
	_ =	strace s9  }
0x27: {  	s1 =	sld [smem:$0x3FAB]  }
0x28: {  	s2 =	sld [smem:$0x3FAC]  }
0x29: {  	s4 =	sld [smem:$0x3FAE]  }
0x2a: {  	p0 =	seq.s32 s5, $0x0;
	s5 =	sld [smem:$0x3FAF]  }
0x2b: {  	s6 =	sld [smem:$0x3FB0]  }
0x2c: {  	s7 =	sld [smem:$0x3FB1]  }
0x2d: {  	s3 =	simm.s32 $0x108;
	s8 =	sld [smem:$0x3FB2]  }
0x2e: {  	s3 =	simm.s32 @!p0 $0x1082;
	s9 =	sld [smem:$0x3FB3]  }
0x2f: {  	lr =	sadd.s32 s0, s3;
	s0 =	sld [smem:$0x3FAA]  }
0x30: {  	s3 =	sld [smem:$0x3FAD]  }
0x31: {  	[smem:$0x3FB6] =	sst s10  }
0x32: {  	s10 =	sld [smem:$0x3FB4];
	_ =	sdelay $0x3  }
0x33: {  	p0 =	seq.s32 s10, $0x1;
	s10 =	sld [smem:$0x3FB6];
	_ =	sdelay $0x3  }
0x34: {  	[smem:$0x3FB6] =	sst s10  }
0x35: {  	s10 =	sld [smem:$0x3FB5];
	_ =	sdelay $0x3  }
0x36: {  	p1 =	seq.s32 s10, $0x1;
	s10 =	sld [smem:$0x3FB6];
	_ =	sdelay $0x3  }
0x37: {  	[smem:$0x3FB6] =	sst s10  }
0x38: {  	s10 =	sld [smem:$0x3FB7]  }
0x39: {  	_ = 	snop;
	(pc) =	sbr.ind lr, $3  }
0x3a: {  	_ = 	snop  }
0x3b: {  	_ = 	snop  }
0x3c: {  	p2 =	seq.s32 s10, $0x1;
	s10 =	sld [smem:$0x3FB6]  }
0x3d: {  	_ =	shalt  }
0x3e: {  	_ =	shalt  }
0x3f: {  	_ =	shalt  }
0x40: {  	_ =	shalt  }
0x41: {  	_ =	shalt  }
0x42: {  	_ =	shalt  }
0x43: {  	_ =	shalt  }
0x44: {  	_ =	shalt  }
0x45: {  	_ =	shalt  }
0x46: {  	_ =	shalt  }
0x47: {  	_ =	shalt  }
0x48: {  	_ =	shalt  }
0x49: {  	_ =	shalt  }
0x4a: {  	_ =	shalt  }
0x4b: {  	_ =	shalt  }
0x4c: {  	_ =	shalt  }
0x4d: {  	_ =	shalt  }
0x4e: {  	_ =	shalt  }
0x4f: {  	_ =	shalt  }
0x50: {  	_ =	shalt  }
0x51: {  	_ =	shalt  }
0x52: {  	_ =	shalt  }
0x53: {  	_ =	shalt  }
0x54: {  	_ =	shalt  }
0x55: {  	_ =	shalt  }
0x56: {  	_ =	shalt  }
0x57: {  	_ =	shalt  }
0x58: {  	_ =	shalt  }
0x59: {  	_ =	shalt  }
0x5a: {  	_ =	shalt  }
0x5b: {  	_ =	shalt  }
0x5c: {  	_ =	shalt  }
0x5d: {  	_ =	shalt  }
0x5e: {  	_ =	shalt  }
0x5f: {  	_ =	shalt  }
0x60: {  	_ =	shalt  }
0x61: {  	_ =	shalt  }
0x62: {  	_ =	shalt  }
0x63: {  	_ =	shalt  }
0x64: {  	_ =	shalt  }
0x65: {  	_ =	shalt  }
0x66: {  	_ =	shalt  }
0x67: {  	_ =	shalt  }
0x68: {  	_ =	shalt  }
0x69: {  	_ =	shalt  }
0x6a: {  	_ =	shalt  }
0x6b: {  	_ =	shalt  }
0x6c: {  	_ =	shalt  }
0x6d: {  	_ =	shalt  }
0x6e: {  	_ =	shalt  }
0x6f: {  	_ =	shalt  }
0x70: {  	_ =	shalt  }
0x71: {  	_ =	shalt  }
0x72: {  	_ =	shalt  }
0x73: {  	_ =	shalt  }
0x74: {  	_ =	shalt  }
0x75: {  	_ =	shalt  }
0x76: {  	_ =	shalt  }
0x77: {  	_ =	shalt  }
0x78: {  	_ =	shalt  }
0x79: {  	_ =	shalt  }
0x7a: {  	_ =	shalt  }
0x7b: {  	_ =	shalt  }
0x7c: {  	_ =	shalt  }
0x7d: {  	_ =	shalt  }
0x7e: {  	_ =	shalt  }
0x7f: {  	_ =	shalt  }
0x80: {  	_ =	shalt  }
0x81: {  	_ =	shalt  }
0x82: {  	_ =	shalt  }
0x83: {  	_ =	shalt  }
0x84: {  	_ =	shalt  }
0x85: {  	_ =	shalt  }
0x86: {  	_ =	shalt  }
0x87: {  	_ =	shalt  }
.Lfunc_end0:
.L_simem_size_0:
called_computation_lowered:
.L_overlay_start_0:
0x88: {  	s2 =	sld [smem:$0x3FD9]  }
0x89: {  	s3 =	sld [smem:$0x3FFE];
	_ =	sdelay $0x1  }
0x8a: {  	s1 =	srdreg.scid  }
0x8b: {  	s0 =	sand.u32 $0x1, s1  }
0x8c: {  	s17 =	sshll.u32 s0, $0xA;
	s2 =	sadd.s32 s3, s2  }
0x8d: {  	s2 =	sadd.s32 s2, s17  }
0x8e: {  	[smem:$0x3FC2] =	sst s2  }
0x8f: {  	_ = 	snop  }
0x90: {  	s2 =	sld [smem:$0x3FC5];
	(tm) =	ssettm $0x1  }
0x91: {  	s18 =	sld [smem:$0x3FFB];
	_ =	sdelay $0x3  }
0x92: {  	_ =	strace s18  }
0x93: {  	s3 =	sld [smem:$0x3FFC];
	_ =	sdelay $0x3  }
0x94: {  	_ =	strace s3  }
0x95: {  	s3 =	sld [smem:$0x3FFD];
	_ =	sdelay $0x3  }
0x96: {  	_ =	strace s3  }
0x97: {  	_ =	strace $0x8FFFFFFF  }
0x98: {  	s19 =	sld [smem:$0x3FDB];
	_ =	sdelay $0x1  }
0x99: {  	s4 =	simm.s32 $_scs_section_size  }
0x9a: {  	s5 =	simm.s32 $_size__tile_overlayer_lowered;
	s6 =	simm.s32 $_tile_overlayer_lowered  }
0x9b: {  	s22 =	simm.s32 $0x1BFF;
	s21 =	sshll.u32 s6, $0x1;
	s3 =	sadd.s32 s4, s19  }
0x9c: {  	s7 =	simm.s32 $0x0;
	s20 =	sshll.u32 s5, $0x1;
	s5 =	sadd.s32 s21, s3  }
0x9d: {  	[timem:s7], [sflag:s22] =	dma.local [hbm:s5], s20  }
0x9e: {  	_ =	swait.ge [sflag:s22], s20  }
0x9f: {  	s4 =	ssub.s32 $0x0, s20;
	[sflag:s22] =	ssyncset.done $0x0  }
0xa0: {  	[sflag:s22] =	ssyncadd.s32 s4;
	_ =	sdelay $0x1  }
0xa1: {  	s23 =	simm.s32 $0x1B8B  }
0xa2: {  	_ =	swait.ge [sflag:s23], $0x1  }
0xa3: {  	[sflag:s23] =	ssyncset.done $0x0  }
0xa4: {  	s25 =	simm.s32 $0x1B8E;
	s24 =	sld [smem:$0x3FFE];
	[sflag:s23] =	ssyncadd.s32 $0xFFFFFFFF  }
0xa5: {  	s26 =	simm.s32 $execute0_lowered;
	[smem:$0x3FD2] =	sst s25  }
0xa6: {  	s5 =	sshll.u32 s26, $0x1;
	_ =	strace $0x80000046;
	[dreg:$0x1] =	wrdreg $0xFFFFFFFF  }
0xa7: {  	s28 =	simm.s32 $_size_execute0_lowered;
	s3 =	sadd.s32 s3, s5;
	[dreg:$0x0] =	wrdreg $0x0  }
0xa8: {  	s5 =	sshll.u32 s28, $0x1;
	[dreg:$0x2] =	wrdreg s3  }
0xa9: {  	[dreg:$0x3] =	wrdreg s5  }
0xaa: {  	[dreg:$0x4] =	wrdreg $0xC0  }
0xab: {  	_ =	task [dreg:s7], $0x5FFFF  }
0xac: {  	[dreg:$0x1] =	wrdreg $0xFFFFFFFF  }
0xad: {  	[dreg:$0x0] =	wrdreg $0x60  }
0xae: {  	[dreg:$0x2] =	wrdreg s2  }
0xaf: {  	[dreg:$0x3] =	wrdreg s24  }
0xb0: {  	[dreg:$0x4] =	wrdreg $0x9  }
0xb1: {  	_ =	task.clear_ibuf [dreg:s7], $0x5FFFF;
	_ =	strace $0x90000046  }
0xb2: {  	s29 =	simm.s32 $0x9;
	_ =	strace $0x80000048  }
0xb3: {  	_ =	swait.ge [sflag:s29], $0x1  }
0xb4: {  	[sflag:s29] =	ssyncadd.s32 $0xFFFFFFFF  }
0xb5: {  	_ =	strace $0x90000048  }
0xb6: {  	_ =	sfence  }
0xb7: {  	s30 =	sld [smem:$0x0];
	_ =	sdelay $0x2  }
0xb8: {  	s31 =	sshll.u32 s1, $0xD;
	s1 =	sshrl.u32 s1, $0x2  }
0xb9: {  	s3 =	sand.u32 $0x4000, s31;
	s1 =	sadd.s32 s1, s30  }
0xba: {  	s0 =	sor.u32 s3, s0;
	s1 =	sshll.u32 s1, $0x11  }
0xbb: {  	s0 =	sor.u32 s1, s0  }
0xbc: {  	s0 =	sadd.s32 $0x8F2B, s0  }
0xbd: {  	[sflag:s0] =	ssyncadd.remote.s32 $0x1  }
0xbe: {  	_ =	sfence.sel $0xFFFF  }
0xbf: {  	[dreg:$0x0] =	wrdreg $0xFFFFFFFF;
	(pc) =	sbr.abs _section_cstart, $3  }
0xc0: {  	[dreg:$0x1] =	wrdreg $0xFFFFFFFF  }
0xc1: {  	_ =	task.clear_ibuf [dreg:s7], $0x2FFFF;
	_ =	strace $0x9FFFFFFF  }
0xc2: {  	(tm) =	ssettm $0x7FFFFFFF  }
0xc3: {  	_ =	shalt  }
tec
execute0_lowered:
.L_overlay_start_1:
0x0: {  	(tag) =	ssettag $0x1  }
0x1: {  	s2 =	rddreg [dreg:$0x0]  }
0x2: {  	s1 =	srdreg.scid;
	s0 =	stileid.u32  }
0x3: {  	s4 =	rddreg [dreg:$0x1];
	s3 =	simm.s32 $0x0;
	s12 =	simm.s32 $0x2  }
0x4: {  	s13 =	simm.s32 $0xC000;
	s14 =	simm.s32 $0x3;
	s15 =	simm.s32 $0x0  }
0x5: {  	s5 =	sand.u32 $0x1, s1;
	s6 =	sshll.u32 s0, $0x1;
	[smem:$0x7FF] =	sst s3  }
0x6: {  	s1 =	rddreg [dreg:$0x2];
	s6 =	sor.u32 s5, s6;
	_ =	strace $0x80000047  }
0x7: {  	s5 =	ssub.s32 $0x2, s5;
	s7 =	sshll.u32 s6, $0xD;
	s8 =	smul.u32 $0x60000, s6  }
0x8: {  	s31 =	sshrl.u32 s5, $0x1;
	s10 =	sshll.u32 s6, $0xC;
	s9 =	sadd.s32 s7, s4  }
0x9: {  	s11 =	ssub.s32 s5, s31;
	s6 =	sor.u32 $0x40, s10;
	s7 =	sor.u32 $0x60, s10  }
0xa: {  	s10 =	simm.s32 $0x6000;
	s4 =	sadd.s32 s2, s8;
	s8 =	sadd.s32 $0xA00, s9  }
0xb: {  	s9 =	smax.u32 s11, $0x1;
	s11 =	simm.s32 $0x1;
	s5 =	sadd.s32 $0xC00, s4  }
.LBB2_1:
0xc: {  	[tilespmem:s3], [sflag:$0x1] =	stream.linear.gather [hbm4b:s4+s3], $0x6000, $0x38;
	[tilespmem:$0x1C000] =	vst v63  }
0xd: {  	s16 =	simm.s32 $0xC200;
	s17 =	simm.s32 $0x0  }
0xe: {  	[tilespmem:s10], [sflag:$0x2] =	stream.linear.gather [hbm4b:s5+s3], $0x6000, $0x38;
	[tilespmem:$0x1C000] =	vst v63  }
.LBB2_2:
0xf: {  	s18 =	simm.s32 $0x0  }
0x10: {  	s18 =	smul.u32 $0x6000, s18  }
0x11: {  	_ =	swait.ge [sflag:s11], $0x6000;
	s19 =	simm.s32 $0x0  }
0x12: {  	[sflag:s11] =	ssyncset.done $0x0;
	s20 =	sand.u32 $0x380, s19;
	s18 =	sshra.s32 s18, $0x2  }
0x13: {  	[sflag:s11] =	ssyncadd.s32 $0xFFFFA000;
	s18 =	sor.u32 s20, s18  }
0x14: {  	v0 =	vld [tilespmem:s18+$0x1440]  }
0x15: {  	v1 =	vld [tilespmem:s18+$0x1450]  }
0x16: {  	v2 =	vld [tilespmem:s18+$0x1400]  }
0x17: {  	v3 =	vld [tilespmem:s18+$0x1410]  }
0x18: {  	v4 =	vld [tilespmem:s18+$0x1040]  }
0x19: {  	v5 =	vld [tilespmem:s18+$0x1050]  }
0x1a: {  	v6 =	vld [tilespmem:s18+$0x1000]  }
0x1b: {  	v7 =	vld [tilespmem:s18+$0x1010]  }
0x1c: {  	v8 =	vld [tilespmem:s18+$0xC40]  }
0x1d: {  	v9 =	vld [tilespmem:s18+$0xC50]  }
0x1e: {  	v10 =	vld [tilespmem:s18+$0xC00]  }
0x1f: {  	v11 =	vld [tilespmem:s18+$0xC10]  }
0x20: {  	v12 =	vld [tilespmem:s18+$0x840]  }
0x21: {  	v13 =	vld [tilespmem:s18+$0x850]  }
0x22: {  	v14 =	vld [tilespmem:s18+$0x800]  }
0x23: {  	v15 =	vld [tilespmem:s18+$0x810]  }
0x24: {  	v16 =	vld [tilespmem:s18+$0x440]  }
0x25: {  	v17 =	vld [tilespmem:s18+$0x450]  }
0x26: {  	v18 =	vld [tilespmem:s18+$0x400]  }
0x27: {  	v19 =	vld [tilespmem:s18+$0x410]  }
0x28: {  	v20 =	vld [tilespmem:s18+$0x40]  }
0x29: {  	v21 =	vld [tilespmem:s18+$0x0]  }
0x2a: {  	v22 =	vld [tilespmem:s18+$0x10]  }
0x2b: {  	v23 =	vld [tilespmem:s18+$0x50]  }
0x2c: {  	v24 =	vld [tilespmem:s18+$0x20]  }
0x2d: {  	v25 =	vld [tilespmem:s18+$0x60]  }
0x2e: {  	v26 =	vld [tilespmem:s18+$0x30]  }
0x2f: {  	v27 =	vld [tilespmem:s18+$0x70]  }
0x30: {  	v28 =	vld [tilespmem:s18+$0x420]  }
0x31: {  	v29 =	vld [tilespmem:s18+$0x430]  }
0x32: {  	v30 =	vld [tilespmem:s18+$0x460]  }
0x33: {  	v20 =	vadd.f32 v20, v21;
	v21 =	vadd.f32 v23, v22;
	v22 =	vld [tilespmem:s18+$0x470]  }
0x34: {  	v62 =	vld [tilespmem:s18+$0x820];
	v23 =	vadd.f32 v25, v24;
	v61 =	vadd.f32 v27, v26  }
0x35: {  	v18 =	vadd.f32 v18, v20;
	v19 =	vadd.f32 v19, v21;
	v20 =	vld [tilespmem:s18+$0x830]  }
0x36: {  	v63 =	vld [tilespmem:s18+$0x860];
	v21 =	vadd.f32 v28, v23;
	v23 =	vadd.f32 v29, v61  }
0x37: {  	v16 =	vadd.f32 v16, v18;
	v17 =	vadd.f32 v17, v19;
	v18 =	vld [tilespmem:s18+$0x870]  }
0x38: {  	v19 =	vadd.f32 v30, v21;
	v21 =	vadd.f32 v22, v23;
	v22 =	vld [tilespmem:s18+$0xC20]  }
0x39: {  	v14 =	vadd.f32 v14, v16;
	v15 =	vadd.f32 v15, v17;
	v16 =	vld [tilespmem:s18+$0xC30]  }
0x3a: {  	v17 =	vadd.f32 v62, v19;
	v19 =	vadd.f32 v20, v21;
	v20 =	vld [tilespmem:s18+$0xC60]  }
0x3b: {  	v12 =	vadd.f32 v12, v14;
	v13 =	vadd.f32 v13, v15;
	v14 =	vld [tilespmem:s18+$0xC70]  }
0x3c: {  	v15 =	vadd.f32 v63, v17;
	v17 =	vadd.f32 v18, v19;
	v18 =	vld [tilespmem:s18+$0x1020]  }
0x3d: {  	v10 =	vadd.f32 v10, v12;
	v11 =	vadd.f32 v11, v13;
	v12 =	vld [tilespmem:s18+$0x1030]  }
0x3e: {  	v13 =	vadd.f32 v22, v15;
	v15 =	vadd.f32 v16, v17;
	v16 =	vld [tilespmem:s18+$0x1060]  }
0x3f: {  	v8 =	vadd.f32 v8, v10;
	v9 =	vadd.f32 v9, v11;
	v10 =	vld [tilespmem:s18+$0x1070]  }
0x40: {  	v11 =	vadd.f32 v20, v13;
	v13 =	vadd.f32 v14, v15;
	v14 =	vld [tilespmem:s18+$0x1420]  }
0x41: {  	v6 =	vadd.f32 v6, v8;
	v7 =	vadd.f32 v7, v9;
	v8 =	vld [tilespmem:s18+$0x1430]  }
0x42: {  	v9 =	vadd.f32 v18, v11;
	v11 =	vadd.f32 v12, v13;
	v12 =	vld [tilespmem:s18+$0x1460]  }
0x43: {  	v4 =	vadd.f32 v4, v6;
	v5 =	vadd.f32 v5, v7;
	v6 =	vld [tilespmem:s18+$0x1470]  }
0x44: {  	v7 =	vadd.f32 v16, v9;
	v9 =	vadd.f32 v10, v11  }
0x45: {  	v2 =	vadd.f32 v2, v4;
	v3 =	vadd.f32 v3, v5  }
0x46: {  	v4 =	vadd.f32 v14, v7;
	v5 =	vadd.f32 v8, v9  }
0x47: {  	v0 =	vadd.f32 v0, v2;
	v1 =	vadd.f32 v1, v3  }
0x48: {  	v2 =	vadd.f32 v12, v4;
	v3 =	vadd.f32 v6, v5  }
0x49: {  	s29 =	sshll.u32 s17, $0xA  }
0x4a: {  	s21 =	simm.s32 $0x0;
	s18 =	sand.u32 $0x3FFFFC00, s29;
	v0 =	vadd.f32 v1, v0;
	v1 =	vadd.f32 v3, v2  }
0x4b: {  	s30 =	smul.u32 $0x6000, s21;
	s31 =	sand.u32 $0x180, s19;
	s20 =	sadd.s32 $0xC000, s18  }
0x4c: {  	s22 =	sand.u32 $0x70, s19;
	s21 =	simm.s32 $0x80;
	s23 =	sadd.s32 s31, s20;
	v0 =	vadd.f32 v1, v0  }
0x4d: {  	s24 =	sand.u32 $0x380, s21;
	s18 =	sshra.s32 s30, $0x2;
	s22 =	sadd.s32 s22, s23  }
0x4e: {  	s18 =	sor.u32 s24, s18;
	[tilespmem:s22+$0x0] =	vst v0  }
0x4f: {  	v0 =	vld [tilespmem:s18+$0x1440]  }
0x50: {  	v1 =	vld [tilespmem:s18+$0x1450]  }
0x51: {  	v2 =	vld [tilespmem:s18+$0x1400]  }
0x52: {  	v3 =	vld [tilespmem:s18+$0x1410]  }
0x53: {  	v4 =	vld [tilespmem:s18+$0x1040]  }
0x54: {  	v5 =	vld [tilespmem:s18+$0x1050]  }
0x55: {  	v6 =	vld [tilespmem:s18+$0x1000]  }
0x56: {  	v7 =	vld [tilespmem:s18+$0x1010]  }
0x57: {  	v8 =	vld [tilespmem:s18+$0xC40]  }
0x58: {  	v9 =	vld [tilespmem:s18+$0xC50]  }
0x59: {  	v10 =	vld [tilespmem:s18+$0xC00]  }
0x5a: {  	v11 =	vld [tilespmem:s18+$0xC10]  }
0x5b: {  	v12 =	vld [tilespmem:s18+$0x840]  }
0x5c: {  	v13 =	vld [tilespmem:s18+$0x850]  }
0x5d: {  	v14 =	vld [tilespmem:s18+$0x800]  }
0x5e: {  	v15 =	vld [tilespmem:s18+$0x810]  }
0x5f: {  	v16 =	vld [tilespmem:s18+$0x440]  }
0x60: {  	v17 =	vld [tilespmem:s18+$0x450]  }
0x61: {  	v18 =	vld [tilespmem:s18+$0x400]  }
0x62: {  	v19 =	vld [tilespmem:s18+$0x410]  }
0x63: {  	v20 =	vld [tilespmem:s18+$0x40]  }
0x64: {  	v21 =	vld [tilespmem:s18+$0x0]  }
0x65: {  	s22 =	simm.s32 $0x2;
	v22 =	vld [tilespmem:s18+$0x10]  }
.LBB2_3:
0x66: {  	p0 =	sne.s32 s22, $0x1F;
	v23 =	vld [tilespmem:s18+$0x50]  }
0x67: {  	v24 =	vld [tilespmem:s18+$0x20]  }
0x68: {  	v25 =	vld [tilespmem:s18+$0x60]  }
0x69: {  	v26 =	vld [tilespmem:s18+$0x30]  }
0x6a: {  	v27 =	vld [tilespmem:s18+$0x70]  }
0x6b: {  	v28 =	vld [tilespmem:s18+$0x420]  }
0x6c: {  	v29 =	vld [tilespmem:s18+$0x430]  }
0x6d: {  	v30 =	vld [tilespmem:s18+$0x460]  }
0x6e: {  	v20 =	vadd.f32 v20, v21;
	v21 =	vadd.f32 v23, v22;
	v22 =	vld [tilespmem:s18+$0x470]  }
0x6f: {  	v23 =	vadd.f32 v25, v24;
	v24 =	vadd.f32 v27, v26;
	v25 =	vld [tilespmem:s18+$0x820]  }
0x70: {  	v18 =	vadd.f32 v18, v20;
	v19 =	vadd.f32 v19, v21;
	v20 =	vld [tilespmem:s18+$0x830]  }
0x71: {  	v21 =	vadd.f32 v28, v23;
	v23 =	vadd.f32 v29, v24;
	v24 =	vld [tilespmem:s18+$0x860]  }
0x72: {  	v16 =	vadd.f32 v16, v18;
	v17 =	vadd.f32 v17, v19;
	v18 =	vld [tilespmem:s18+$0x870]  }
0x73: {  	v19 =	vadd.f32 v30, v21;
	v21 =	vadd.f32 v22, v23;
	v22 =	vld [tilespmem:s18+$0xC20]  }
0x74: {  	v14 =	vadd.f32 v14, v16;
	v15 =	vadd.f32 v15, v17;
	v16 =	vld [tilespmem:s18+$0xC30]  }
0x75: {  	v17 =	vadd.f32 v25, v19;
	v19 =	vadd.f32 v20, v21;
	v20 =	vld [tilespmem:s18+$0xC60]  }
0x76: {  	v12 =	vadd.f32 v12, v14;
	v13 =	vadd.f32 v13, v15;
	v14 =	vld [tilespmem:s18+$0xC70]  }
0x77: {  	v15 =	vadd.f32 v24, v17;
	v17 =	vadd.f32 v18, v19;
	v18 =	vld [tilespmem:s18+$0x1020]  }
0x78: {  	v10 =	vadd.f32 v10, v12;
	v11 =	vadd.f32 v11, v13;
	v12 =	vld [tilespmem:s18+$0x1030]  }
0x79: {  	v13 =	vadd.f32 v22, v15;
	v15 =	vadd.f32 v16, v17;
	v16 =	vld [tilespmem:s18+$0x1060]  }
0x7a: {  	v8 =	vadd.f32 v8, v10;
	v9 =	vadd.f32 v9, v11;
	v10 =	vld [tilespmem:s18+$0x1070]  }
0x7b: {  	v11 =	vadd.f32 v20, v13;
	v13 =	vadd.f32 v14, v15;
	v14 =	vld [tilespmem:s18+$0x1420]  }
0x7c: {  	v6 =	vadd.f32 v6, v8;
	v7 =	vadd.f32 v7, v9;
	v8 =	vld [tilespmem:s18+$0x1430]  }
0x7d: {  	v9 =	vadd.f32 v18, v11;
	v11 =	vadd.f32 v12, v13;
	v12 =	vld [tilespmem:s18+$0x1460]  }
0x7e: {  	v4 =	vadd.f32 v4, v6;
	v5 =	vadd.f32 v5, v7;
	v6 =	vld [tilespmem:s18+$0x1470]  }
0x7f: {  	v7 =	vadd.f32 v16, v9;
	v9 =	vadd.f32 v10, v11  }
0x80: {  	v2 =	vadd.f32 v2, v4;
	v3 =	vadd.f32 v3, v5  }
0x81: {  	v4 =	vadd.f32 v14, v7;
	v5 =	vadd.f32 v8, v9  }
0x82: {  	v0 =	vadd.f32 v0, v2;
	v1 =	vadd.f32 v1, v3  }
0x83: {  	v2 =	vadd.f32 v12, v4;
	v3 =	vadd.f32 v6, v5;
	_ =	sdelay $0x1  }
0x84: {  	s19 =	sadd.s32 $0x10, s19;
	s18 =	sshrl.u32 s22, $0x3;
	v0 =	vadd.f32 v1, v0;
	v1 =	vadd.f32 v3, v2  }
0x85: {  	s23 =	sand.u32 $0x180, s19;
	s18 =	smul.u32 $0x6000, s18  }
0x86: {  	s21 =	sadd.s32 $0x80, s21;
	s24 =	sand.u32 $0x70, s19;
	s23 =	sadd.s32 s23, s20;
	v0 =	vadd.f32 v1, v0  }
0x87: {  	s25 =	sand.u32 $0x380, s21;
	s23 =	sadd.s32 s24, s23;
	s18 =	sshra.s32 s18, $0x2  }
0x88: {  	s18 =	sor.u32 s25, s18;
	[tilespmem:s23+$0x0] =	vst v0  }
0x89: {  	v0 =	vld [tilespmem:s18+$0x1440]  }
0x8a: {  	v1 =	vld [tilespmem:s18+$0x1450]  }
0x8b: {  	v2 =	vld [tilespmem:s18+$0x1400]  }
0x8c: {  	v3 =	vld [tilespmem:s18+$0x1410]  }
0x8d: {  	v4 =	vld [tilespmem:s18+$0x1040]  }
0x8e: {  	v5 =	vld [tilespmem:s18+$0x1050]  }
0x8f: {  	v6 =	vld [tilespmem:s18+$0x1000]  }
0x90: {  	v7 =	vld [tilespmem:s18+$0x1010]  }
0x91: {  	v8 =	vld [tilespmem:s18+$0xC40]  }
0x92: {  	v9 =	vld [tilespmem:s18+$0xC50]  }
0x93: {  	v10 =	vld [tilespmem:s18+$0xC00]  }
0x94: {  	v11 =	vld [tilespmem:s18+$0xC10]  }
0x95: {  	v12 =	vld [tilespmem:s18+$0x840]  }
0x96: {  	v13 =	vld [tilespmem:s18+$0x850]  }
0x97: {  	v14 =	vld [tilespmem:s18+$0x800]  }
0x98: {  	v15 =	vld [tilespmem:s18+$0x810]  }
0x99: {  	v16 =	vld [tilespmem:s18+$0x440]  }
0x9a: {  	v17 =	vld [tilespmem:s18+$0x450]  }
.Ltmp0:
0x9b: {  	v18 =	vld [tilespmem:s18+$0x400];
	(pc) =	sbr.rel @p0 .LBB2_3-.Ltmp0, $4  }
0x9c: {  	v19 =	vld [tilespmem:s18+$0x410]  }
0x9d: {  	v20 =	vld [tilespmem:s18+$0x40]  }
0x9e: {  	v21 =	vld [tilespmem:s18+$0x0]  }
0x9f: {  	s22 =	sadd.s32 $0x1, s22;
	v22 =	vld [tilespmem:s18+$0x10]  }
0xa0: {  	v23 =	vld [tilespmem:s18+$0x50]  }
0xa1: {  	v24 =	vld [tilespmem:s18+$0x20]  }
0xa2: {  	v25 =	vld [tilespmem:s18+$0x60]  }
0xa3: {  	v26 =	vld [tilespmem:s18+$0x30]  }
0xa4: {  	v27 =	vld [tilespmem:s18+$0x70]  }
0xa5: {  	v28 =	vld [tilespmem:s18+$0x420]  }
0xa6: {  	v29 =	vld [tilespmem:s18+$0x430]  }
0xa7: {  	v30 =	vld [tilespmem:s18+$0x460];
	v20 =	vadd.f32 v20, v21  }
0xa8: {  	v21 =	vadd.f32 v23, v22;
	v22 =	vld [tilespmem:s18+$0x470];
	v23 =	vadd.f32 v25, v24  }
0xa9: {  	v52 =	vld [tilespmem:s18+$0x820];
	v51 =	vadd.f32 v27, v26;
	v18 =	vadd.f32 v18, v20  }
0xaa: {  	v20 =	vld [tilespmem:s18+$0x830];
	v19 =	vadd.f32 v19, v21;
	v21 =	vadd.f32 v28, v23  }
0xab: {  	v53 =	vld [tilespmem:s18+$0x860];
	v23 =	vadd.f32 v29, v51;
	v16 =	vadd.f32 v16, v18  }
0xac: {  	v18 =	vld [tilespmem:s18+$0x870];
	v17 =	vadd.f32 v17, v19;
	v19 =	vadd.f32 v30, v21  }
0xad: {  	v14 =	vadd.f32 v14, v16;
	v21 =	vadd.f32 v22, v23;
	v22 =	vld [tilespmem:s18+$0xC20]  }
0xae: {  	v16 =	vld [tilespmem:s18+$0xC30];
	v15 =	vadd.f32 v15, v17;
	v17 =	vadd.f32 v52, v19  }
0xaf: {  	v12 =	vadd.f32 v12, v14;
	v19 =	vadd.f32 v20, v21;
	v20 =	vld [tilespmem:s18+$0xC60]  }
0xb0: {  	v14 =	vld [tilespmem:s18+$0xC70];
	v13 =	vadd.f32 v13, v15;
	v15 =	vadd.f32 v53, v17  }
0xb1: {  	v10 =	vadd.f32 v10, v12;
	v17 =	vadd.f32 v18, v19;
	v18 =	vld [tilespmem:s18+$0x1020]  }
0xb2: {  	v12 =	vld [tilespmem:s18+$0x1030];
	v11 =	vadd.f32 v11, v13;
	v13 =	vadd.f32 v22, v15  }
0xb3: {  	v8 =	vadd.f32 v8, v10;
	v10 =	vld [tilespmem:s18+$0x1070];
	v15 =	vadd.f32 v16, v17  }
0xb4: {  	v16 =	vld [tilespmem:s18+$0x1060];
	v9 =	vadd.f32 v9, v11;
	v11 =	vadd.f32 v20, v13  }
0xb5: {  	v6 =	vadd.f32 v6, v8;
	v8 =	vld [tilespmem:s18+$0x1430];
	v13 =	vadd.f32 v14, v15  }
0xb6: {  	v14 =	vld [tilespmem:s18+$0x1420];
	v7 =	vadd.f32 v7, v9;
	v9 =	vadd.f32 v18, v11  }
0xb7: {  	v4 =	vadd.f32 v4, v6;
	v6 =	vld [tilespmem:s18+$0x1470];
	v11 =	vadd.f32 v12, v13  }
0xb8: {  	v12 =	vld [tilespmem:s18+$0x1460];
	v5 =	vadd.f32 v5, v7  }
0xb9: {  	v7 =	vadd.f32 v16, v9;
	v9 =	vadd.f32 v10, v11  }
0xba: {  	v2 =	vadd.f32 v2, v4;
	v3 =	vadd.f32 v3, v5  }
0xbb: {  	v4 =	vadd.f32 v14, v7;
	v5 =	vadd.f32 v8, v9  }
0xbc: {  	v0 =	vadd.f32 v0, v2;
	v1 =	vadd.f32 v1, v3  }
0xbd: {  	p0 =	seq.s32 s17, $0x3F;
	v2 =	vadd.f32 v12, v4;
	v3 =	vadd.f32 v6, v5  }
0xbe: {  	s18 =	sshll.u32 @!p0 s17, $0x6  }
0xbf: {  	s19 =	sadd.s32 $0x10, s19;
	s21 =	sadd.s32 @!p0 s18, s6;
	v0 =	vadd.f32 v1, v0;
	v1 =	vadd.f32 v3, v2  }
0xc0: {  	s22 =	sand.u32 $0x180, s19;
	s21 =	sshrl.u32 @!p0 s21, $0x3  }
0xc1: {  	s19 =	sand.u32 $0x70, s19;
	s20 =	sadd.s32 s22, s20;
	s21 =	smul.u32 @!p0 $0x300, s21;
	v0 =	vadd.f32 v1, v0  }
0xc2: {  	s19 =	sadd.s32 s19, s20  }
0xc3: {  	s28 =	simm.s32 $0x0;
	s20 =	simm.s32 @!p0 $0x0;
	[tilespmem:s19+$0x0] =	vst v0;
	s19 =	sadd.s32 @!p0 s2, s21  }
0xc4: {  	[tilespmem:s20], [sflag:$0x1] =	stream.linear.gather @!p0 [hbm4b:s19+s20], $0x6000, $0x38;
	[tilespmem:$0x1C000] =	vst v63  }
0xc5: {  	s19 =	smul.u32 $0x6000, s28  }
0xc6: {  	s29 =	simm.s32 $0x0;
	_ =	swait.ge [sflag:s12], $0x6000  }
0xc7: {  	s20 =	sand.u32 $0x380, s29;
	[sflag:s12] =	ssyncset.done $0x0;
	s19 =	sshra.s32 s19, $0x2  }
0xc8: {  	[sflag:s12] =	ssyncadd.s32 $0xFFFFA000;
	s19 =	sor.u32 s20, s19  }
0xc9: {  	v0 =	vld [tilespmem:s19+$0x7440]  }
0xca: {  	v1 =	vld [tilespmem:s19+$0x7450]  }
0xcb: {  	v2 =	vld [tilespmem:s19+$0x7400]  }
0xcc: {  	v3 =	vld [tilespmem:s19+$0x7410]  }
0xcd: {  	v4 =	vld [tilespmem:s19+$0x7040]  }
0xce: {  	v5 =	vld [tilespmem:s19+$0x7050]  }
0xcf: {  	v6 =	vld [tilespmem:s19+$0x7000]  }
0xd0: {  	v7 =	vld [tilespmem:s19+$0x7010]  }
0xd1: {  	v8 =	vld [tilespmem:s19+$0x6C40]  }
0xd2: {  	v9 =	vld [tilespmem:s19+$0x6C50]  }
0xd3: {  	v10 =	vld [tilespmem:s19+$0x6C00]  }
0xd4: {  	v11 =	vld [tilespmem:s19+$0x6C10]  }
0xd5: {  	v12 =	vld [tilespmem:s19+$0x6840]  }
0xd6: {  	v13 =	vld [tilespmem:s19+$0x6850]  }
0xd7: {  	v14 =	vld [tilespmem:s19+$0x6800]  }
0xd8: {  	v15 =	vld [tilespmem:s19+$0x6810]  }
0xd9: {  	v16 =	vld [tilespmem:s19+$0x6440]  }
0xda: {  	v17 =	vld [tilespmem:s19+$0x6450]  }
0xdb: {  	v18 =	vld [tilespmem:s19+$0x6400]  }
0xdc: {  	v19 =	vld [tilespmem:s19+$0x6410]  }
0xdd: {  	v20 =	vld [tilespmem:s19+$0x6040]  }
0xde: {  	v21 =	vld [tilespmem:s19+$0x6000]  }
0xdf: {  	v22 =	vld [tilespmem:s19+$0x6010]  }
0xe0: {  	v23 =	vld [tilespmem:s19+$0x6050]  }
0xe1: {  	v54 =	vld [tilespmem:s19+$0x6020]  }
0xe2: {  	v55 =	vld [tilespmem:s19+$0x6060]  }
0xe3: {  	v56 =	vld [tilespmem:s19+$0x6030]  }
0xe4: {  	v57 =	vld [tilespmem:s19+$0x6070]  }
0xe5: {  	v58 =	vld [tilespmem:s19+$0x6420]  }
0xe6: {  	v59 =	vld [tilespmem:s19+$0x6430]  }
0xe7: {  	v60 =	vld [tilespmem:s19+$0x6460]  }
0xe8: {  	v20 =	vadd.f32 v20, v21;
	v21 =	vadd.f32 v23, v22;
	v22 =	vld [tilespmem:s19+$0x6470]  }
0xe9: {  	v62 =	vld [tilespmem:s19+$0x6820];
	v23 =	vadd.f32 v55, v54;
	v61 =	vadd.f32 v57, v56  }
0xea: {  	v18 =	vadd.f32 v18, v20;
	v19 =	vadd.f32 v19, v21;
	v20 =	vld [tilespmem:s19+$0x6830]  }
0xeb: {  	v63 =	vld [tilespmem:s19+$0x6860];
	v21 =	vadd.f32 v58, v23;
	v23 =	vadd.f32 v59, v61  }
0xec: {  	v16 =	vadd.f32 v16, v18;
	v17 =	vadd.f32 v17, v19;
	v18 =	vld [tilespmem:s19+$0x6870]  }
0xed: {  	v19 =	vadd.f32 v60, v21;
	v21 =	vadd.f32 v22, v23;
	v22 =	vld [tilespmem:s19+$0x6C20]  }
0xee: {  	v14 =	vadd.f32 v14, v16;
	v15 =	vadd.f32 v15, v17;
	v16 =	vld [tilespmem:s19+$0x6C30]  }
0xef: {  	v17 =	vadd.f32 v62, v19;
	v19 =	vadd.f32 v20, v21;
	v20 =	vld [tilespmem:s19+$0x6C60]  }
0xf0: {  	v12 =	vadd.f32 v12, v14;
	v13 =	vadd.f32 v13, v15;
	v14 =	vld [tilespmem:s19+$0x6C70]  }
0xf1: {  	v15 =	vadd.f32 v63, v17;
	v17 =	vadd.f32 v18, v19;
	v18 =	vld [tilespmem:s19+$0x7020]  }
0xf2: {  	v10 =	vadd.f32 v10, v12;
	v11 =	vadd.f32 v11, v13;
	v12 =	vld [tilespmem:s19+$0x7030]  }
0xf3: {  	v13 =	vadd.f32 v22, v15;
	v15 =	vadd.f32 v16, v17;
	v16 =	vld [tilespmem:s19+$0x7060]  }
0xf4: {  	v8 =	vadd.f32 v8, v10;
	v9 =	vadd.f32 v9, v11;
	v10 =	vld [tilespmem:s19+$0x7070]  }
0xf5: {  	v11 =	vadd.f32 v20, v13;
	v13 =	vadd.f32 v14, v15;
	v14 =	vld [tilespmem:s19+$0x7420]  }
0xf6: {  	v6 =	vadd.f32 v6, v8;
	v7 =	vadd.f32 v7, v9;
	v8 =	vld [tilespmem:s19+$0x7430]  }
0xf7: {  	v9 =	vadd.f32 v18, v11;
	v11 =	vadd.f32 v12, v13;
	v12 =	vld [tilespmem:s19+$0x7460]  }
0xf8: {  	v4 =	vadd.f32 v4, v6;
	v5 =	vadd.f32 v5, v7;
	v6 =	vld [tilespmem:s19+$0x7470]  }
0xf9: {  	v7 =	vadd.f32 v16, v9;
	v9 =	vadd.f32 v10, v11  }
0xfa: {  	v2 =	vadd.f32 v2, v4;
	v3 =	vadd.f32 v3, v5  }
0xfb: {  	v4 =	vadd.f32 v14, v7;
	v5 =	vadd.f32 v8, v9  }
0xfc: {  	v0 =	vadd.f32 v0, v2;
	v1 =	vadd.f32 v1, v3  }
0xfd: {  	v2 =	vadd.f32 v12, v4;
	v3 =	vadd.f32 v6, v5;
	_ =	sdelay $0x1  }
0xfe: {  	s30 =	simm.s32 $0x0;
	v0 =	vadd.f32 v1, v0;
	v1 =	vadd.f32 v3, v2  }
0xff: {  	s19 =	smul.u32 $0x6000, s30  }
0x100: {  	s21 =	simm.s32 $0x80;
	v0 =	vadd.f32 v1, v0  }
0x101: {  	s31 =	sand.u32 $0x380, s21;
	s19 =	sshra.s32 s19, $0x2  }
0x102: {  	s20 =	sor.u32 s31, s19;
	[tilespmem:s16+$0x0] =	vst v0  }
0x103: {  	v0 =	vld [tilespmem:s20+$0x7440]  }
0x104: {  	v1 =	vld [tilespmem:s20+$0x7450]  }
0x105: {  	v2 =	vld [tilespmem:s20+$0x7400]  }
0x106: {  	v3 =	vld [tilespmem:s20+$0x7410]  }
0x107: {  	v4 =	vld [tilespmem:s20+$0x7040]  }
0x108: {  	v5 =	vld [tilespmem:s20+$0x7050]  }
0x109: {  	v6 =	vld [tilespmem:s20+$0x7000]  }
0x10a: {  	v7 =	vld [tilespmem:s20+$0x7010]  }
0x10b: {  	v8 =	vld [tilespmem:s20+$0x6C40]  }
0x10c: {  	v9 =	vld [tilespmem:s20+$0x6C50]  }
0x10d: {  	v10 =	vld [tilespmem:s20+$0x6C00]  }
0x10e: {  	v11 =	vld [tilespmem:s20+$0x6C10]  }
0x10f: {  	v12 =	vld [tilespmem:s20+$0x6840]  }
0x110: {  	v13 =	vld [tilespmem:s20+$0x6850]  }
0x111: {  	v14 =	vld [tilespmem:s20+$0x6800]  }
0x112: {  	v15 =	vld [tilespmem:s20+$0x6810]  }
0x113: {  	v16 =	vld [tilespmem:s20+$0x6440]  }
0x114: {  	v17 =	vld [tilespmem:s20+$0x6450]  }
0x115: {  	v18 =	vld [tilespmem:s20+$0x6400]  }
0x116: {  	v19 =	vld [tilespmem:s20+$0x6410]  }
0x117: {  	v20 =	vld [tilespmem:s20+$0x6040]  }
0x118: {  	v21 =	vld [tilespmem:s20+$0x6000]  }
0x119: {  	s22 =	simm.s32 $0x2;
	s17 =	sadd.s32 $0x1, s17;
	s19 =	smov.u32 s16;
	v22 =	vld [tilespmem:s20+$0x6010]  }
.LBB2_5:
0x11a: {  	p1 =	sne.s32 s22, $0x1F;
	v23 =	vld [tilespmem:s20+$0x6050]  }
0x11b: {  	v24 =	vld [tilespmem:s20+$0x6020]  }
0x11c: {  	v25 =	vld [tilespmem:s20+$0x6060]  }
0x11d: {  	v26 =	vld [tilespmem:s20+$0x6030]  }
0x11e: {  	v27 =	vld [tilespmem:s20+$0x6070]  }
0x11f: {  	v28 =	vld [tilespmem:s20+$0x6420]  }
0x120: {  	v29 =	vld [tilespmem:s20+$0x6430]  }
0x121: {  	v30 =	vld [tilespmem:s20+$0x6460]  }
0x122: {  	v20 =	vadd.f32 v20, v21;
	v21 =	vadd.f32 v23, v22;
	v22 =	vld [tilespmem:s20+$0x6470]  }
0x123: {  	v23 =	vadd.f32 v25, v24;
	v24 =	vadd.f32 v27, v26;
	v25 =	vld [tilespmem:s20+$0x6820]  }
0x124: {  	v18 =	vadd.f32 v18, v20;
	v19 =	vadd.f32 v19, v21;
	v20 =	vld [tilespmem:s20+$0x6830]  }
0x125: {  	v21 =	vadd.f32 v28, v23;
	v23 =	vadd.f32 v29, v24;
	v24 =	vld [tilespmem:s20+$0x6860]  }
0x126: {  	v16 =	vadd.f32 v16, v18;
	v17 =	vadd.f32 v17, v19;
	v18 =	vld [tilespmem:s20+$0x6870]  }
0x127: {  	v19 =	vadd.f32 v30, v21;
	v21 =	vadd.f32 v22, v23;
	v22 =	vld [tilespmem:s20+$0x6C20]  }
0x128: {  	v14 =	vadd.f32 v14, v16;
	v15 =	vadd.f32 v15, v17;
	v16 =	vld [tilespmem:s20+$0x6C30]  }
0x129: {  	v17 =	vadd.f32 v25, v19;
	v19 =	vadd.f32 v20, v21;
	v20 =	vld [tilespmem:s20+$0x6C60]  }
0x12a: {  	v12 =	vadd.f32 v12, v14;
	v13 =	vadd.f32 v13, v15;
	v14 =	vld [tilespmem:s20+$0x6C70]  }
0x12b: {  	v15 =	vadd.f32 v24, v17;
	v17 =	vadd.f32 v18, v19;
	v18 =	vld [tilespmem:s20+$0x7020]  }
0x12c: {  	v10 =	vadd.f32 v10, v12;
	v11 =	vadd.f32 v11, v13;
	v12 =	vld [tilespmem:s20+$0x7030]  }
0x12d: {  	v13 =	vadd.f32 v22, v15;
	v15 =	vadd.f32 v16, v17;
	v16 =	vld [tilespmem:s20+$0x7060]  }
0x12e: {  	v8 =	vadd.f32 v8, v10;
	v9 =	vadd.f32 v9, v11;
	v10 =	vld [tilespmem:s20+$0x7070]  }
0x12f: {  	v11 =	vadd.f32 v20, v13;
	v13 =	vadd.f32 v14, v15;
	v14 =	vld [tilespmem:s20+$0x7420]  }
0x130: {  	v6 =	vadd.f32 v6, v8;
	v7 =	vadd.f32 v7, v9;
	v8 =	vld [tilespmem:s20+$0x7430]  }
0x131: {  	v9 =	vadd.f32 v18, v11;
	v11 =	vadd.f32 v12, v13;
	v12 =	vld [tilespmem:s20+$0x7460]  }
0x132: {  	v4 =	vadd.f32 v4, v6;
	v5 =	vadd.f32 v5, v7;
	v6 =	vld [tilespmem:s20+$0x7470]  }
0x133: {  	v7 =	vadd.f32 v16, v9;
	v9 =	vadd.f32 v10, v11  }
0x134: {  	v2 =	vadd.f32 v2, v4;
	v3 =	vadd.f32 v3, v5  }
0x135: {  	v4 =	vadd.f32 v14, v7;
	v5 =	vadd.f32 v8, v9  }
0x136: {  	v0 =	vadd.f32 v0, v2;
	v1 =	vadd.f32 v1, v3  }
0x137: {  	v2 =	vadd.f32 v12, v4;
	v3 =	vadd.f32 v6, v5;
	_ =	sdelay $0x1  }
0x138: {  	s20 =	sshrl.u32 s22, $0x3;
	v0 =	vadd.f32 v1, v0;
	v1 =	vadd.f32 v3, v2  }
0x139: {  	s20 =	smul.u32 $0x6000, s20  }
0x13a: {  	s21 =	sadd.s32 $0x80, s21;
	v0 =	vadd.f32 v1, v0  }
0x13b: {  	s19 =	sadd.s32 $0x10, s19;
	s23 =	sand.u32 $0x380, s21;
	s20 =	sshra.s32 s20, $0x2  }
0x13c: {  	s20 =	sor.u32 s23, s20;
	[tilespmem:s19+$0x0] =	vst v0  }
0x13d: {  	v0 =	vld [tilespmem:s20+$0x7440]  }
0x13e: {  	v1 =	vld [tilespmem:s20+$0x7450]  }
0x13f: {  	v2 =	vld [tilespmem:s20+$0x7400]  }
0x140: {  	v3 =	vld [tilespmem:s20+$0x7410]  }
0x141: {  	v4 =	vld [tilespmem:s20+$0x7040]  }
0x142: {  	v5 =	vld [tilespmem:s20+$0x7050]  }
0x143: {  	v6 =	vld [tilespmem:s20+$0x7000]  }
0x144: {  	v7 =	vld [tilespmem:s20+$0x7010]  }
0x145: {  	v8 =	vld [tilespmem:s20+$0x6C40]  }
0x146: {  	v9 =	vld [tilespmem:s20+$0x6C50]  }
0x147: {  	v10 =	vld [tilespmem:s20+$0x6C00]  }
0x148: {  	v11 =	vld [tilespmem:s20+$0x6C10]  }
0x149: {  	v12 =	vld [tilespmem:s20+$0x6840]  }
0x14a: {  	v13 =	vld [tilespmem:s20+$0x6850]  }
0x14b: {  	v14 =	vld [tilespmem:s20+$0x6800]  }
0x14c: {  	v15 =	vld [tilespmem:s20+$0x6810]  }
0x14d: {  	v16 =	vld [tilespmem:s20+$0x6440]  }
0x14e: {  	v17 =	vld [tilespmem:s20+$0x6450]  }
.Ltmp1:
0x14f: {  	v18 =	vld [tilespmem:s20+$0x6400];
	(pc) =	sbr.rel @p1 .LBB2_5-.Ltmp1, $4  }
0x150: {  	v19 =	vld [tilespmem:s20+$0x6410]  }
0x151: {  	v20 =	vld [tilespmem:s20+$0x6040]  }
0x152: {  	v21 =	vld [tilespmem:s20+$0x6000]  }
0x153: {  	s22 =	sadd.s32 $0x1, s22;
	v22 =	vld [tilespmem:s20+$0x6010]  }
0x154: {  	v23 =	vld [tilespmem:s20+$0x6050]  }
0x155: {  	v24 =	vld [tilespmem:s20+$0x6020]  }
0x156: {  	v25 =	vld [tilespmem:s20+$0x6060]  }
0x157: {  	v26 =	vld [tilespmem:s20+$0x6030]  }
0x158: {  	v27 =	vld [tilespmem:s20+$0x6070]  }
0x159: {  	v28 =	vld [tilespmem:s20+$0x6420]  }
0x15a: {  	v29 =	vld [tilespmem:s20+$0x6430]  }
0x15b: {  	v30 =	vld [tilespmem:s20+$0x6460]  }
0x15c: {  	v59 =	vld [tilespmem:s20+$0x6470];
	v20 =	vadd.f32 v20, v21;
	v58 =	vadd.f32 v23, v22  }
0x15d: {  	v62 =	vld [tilespmem:s20+$0x6820];
	v60 =	vadd.f32 v25, v24;
	v61 =	vadd.f32 v27, v26  }
0x15e: {  	v63 =	vld [tilespmem:s20+$0x6830];
	v18 =	vadd.f32 v18, v20;
	v19 =	vadd.f32 v19, v58  }
0x15f: {  	v31 =	vld [tilespmem:s20+$0x6860];
	v28 =	vadd.f32 v28, v60;
	v29 =	vadd.f32 v29, v61  }
0x160: {  	v32 =	vld [tilespmem:s20+$0x6870];
	v16 =	vadd.f32 v16, v18;
	v17 =	vadd.f32 v17, v19  }
0x161: {  	v35 =	vld [tilespmem:s20+$0x6C20];
	v33 =	vadd.f32 v30, v28;
	v34 =	vadd.f32 v59, v29  }
0x162: {  	v36 =	vld [tilespmem:s20+$0x6C30];
	v14 =	vadd.f32 v14, v16;
	v15 =	vadd.f32 v15, v17  }
0x163: {  	v39 =	vld [tilespmem:s20+$0x6C60];
	v37 =	vadd.f32 v62, v33;
	v38 =	vadd.f32 v63, v34  }
0x164: {  	v40 =	vld [tilespmem:s20+$0x6C70];
	v12 =	vadd.f32 v12, v14;
	v13 =	vadd.f32 v13, v15  }
0x165: {  	v43 =	vld [tilespmem:s20+$0x7020];
	v41 =	vadd.f32 v31, v37;
	v42 =	vadd.f32 v32, v38  }
0x166: {  	v44 =	vld [tilespmem:s20+$0x7030];
	v10 =	vadd.f32 v10, v12;
	v11 =	vadd.f32 v11, v13  }
0x167: {  	v47 =	vld [tilespmem:s20+$0x7060];
	v45 =	vadd.f32 v35, v41;
	v46 =	vadd.f32 v36, v42  }
0x168: {  	v48 =	vld [tilespmem:s20+$0x7070];
	v8 =	vadd.f32 v8, v10;
	v9 =	vadd.f32 v9, v11  }
0x169: {  	v51 =	vld [tilespmem:s20+$0x7420];
	v49 =	vadd.f32 v39, v45;
	v50 =	vadd.f32 v40, v46  }
0x16a: {  	v52 =	vld [tilespmem:s20+$0x7430];
	v6 =	vadd.f32 v6, v8;
	v7 =	vadd.f32 v7, v9  }
0x16b: {  	v55 =	vld [tilespmem:s20+$0x7460];
	v53 =	vadd.f32 v43, v49;
	v54 =	vadd.f32 v44, v50  }
0x16c: {  	v56 =	vld [tilespmem:s20+$0x7470];
	v4 =	vadd.f32 v4, v6;
	v5 =	vadd.f32 v5, v7  }
0x16d: {  	v57 =	vadd.f32 v47, v53;
	v58 =	vadd.f32 v48, v54  }
0x16e: {  	v2 =	vadd.f32 v2, v4;
	v3 =	vadd.f32 v3, v5  }
0x16f: {  	v59 =	vadd.f32 v51, v57;
	v60 =	vadd.f32 v52, v58  }
0x170: {  	v0 =	vadd.f32 v0, v2;
	v1 =	vadd.f32 v1, v3  }
0x171: {  	v61 =	vadd.f32 v55, v59;
	v62 =	vadd.f32 v56, v60  }
0x172: {  	p1 =	sne.s32 @!p0 s17, $0x40  }
0x173: {  	s18 =	sadd.s32 @!p0 s18, s7;
	p1 =	por p0, !p1;
	v0 =	vadd.f32 v1, v0;
	v63 =	vadd.f32 v62, v61  }
.Ltmp2:
0x174: {  	s18 =	sshrl.u32 @!p0 s18, $0x3;
	(pc) =	sbr.rel @!p1 .LBB2_2-.Ltmp2, $4  }
0x175: {  	s18 =	smul.u32 @!p0 $0x300, s18;
	v0 =	vadd.f32 v63, v0  }
0x176: {  	s19 =	sadd.s32 $0x10, s19;
	s20 =	simm.s32 @!p0 $0x6000  }
0x177: {  	s16 =	sadd.s32 @!p0 $0x400, s16;
	s18 =	sadd.s32 @!p0 s2, s18;
	[tilespmem:s19+$0x0] =	vst v0;
	s19 =	simm.s32 @!p0 $0x0  }
0x178: {  	[tilespmem:s20], [sflag:$0x2] =	stream.linear.gather @!p0 [hbm4b:s18+s19], $0x6000, $0x38;
	[tilespmem:$0x1C000] =	vst v63  }
0x179: {  	s15 =	sadd.s32 $0x1, s15  }
0x17a: {  	p0 =	sne.s32 s15, s9  }
.Ltmp3:
0x17b: {  	_ = 	snop;
	(pc) =	sbr.rel @p0 .LBB2_1-.Ltmp3, $4  }
0x17c: {  	[hbm4b:s8+s3] =	stream.linear.scatter [tilespmem:s13], [sflag:$0x3], $0x10000, $0x38;
	[tilespmem:$0x1C000] =	vst v63  }
0x17d: {  	_ =	swait.ge [sflag:s14], $0x10000  }
0x17e: {  	[sflag:s14] =	ssyncset.done $0x0  }
0x17f: {  	[sflag:s14] =	ssyncadd.s32 $0xFFFF0000  }
0x180: {  	_ =	sfence.sel $0x180000  }
0x181: {  	[bflag:$0x0] =	sbarrier.arrive $0xFFFF  }
0x182: {  	p0 =	sne.s32 s0, $0x0;
	_ =	strace $0x90000047  }
0x183: {  	s0 =	sadd.s32 @!p0 $0x100000, s1;
	[bflag:$0x2] =	sbarrier.arrive $0xFFFF  }
0x184: {  	[sflag:s0] =	ssyncadd.tile.s32 @!p0 $0x1;
	_ =	shalt  }
.Lfunc_end2:
_tile_overlayer_lowered:
.L_overlay_start_2:
0x185: {  	(tag) =	ssettag $0x2  }
0x186: {  	s0 =	rddreg [dreg:$0x0];
	s2 =	stileid.u32  }
0x187: {  	s1 =	rddreg [dreg:$0x1];
	p0 =	sne.s32 s2, $0x0  }
0x188: {  	s3 =	rddreg [dreg:$0x2];
	[bflag:$0x3] =	sbarrier.arrive $0xFFFF;
	s2 =	simm.s32 @!p0 $0x1C03  }
0x189: {  	[timem:s3], [sflag:s2] =	dma.local @!p0 [hbm:s0], s1  }
0x18a: {  	s0 =	simm.s32 @!p0 $0x3  }
0x18b: {  	_ =	swait.ge @!p0 [sflag:s0], s1  }
0x18c: {  	s1 =	ssub.s32 @!p0 $0x0, s1;
	[sflag:s0] =	ssyncset.done @!p0 $0x0  }
0x18d: {  	[sflag:s0] =	ssyncadd.s32 @!p0 s1  }
0x18e: {  	[bflag:$0x3] =	sbarrier.arrive $0xFFFF  }
0x18f: {  	_ =	shalt  }

</sc_bundles>
